<compile_context>
chip_gen: v7x
topology: tpu7x:2x2x1
jax: 0.10.2.dev20260603
libtpu: 0.0.44.dev20260713+nightly
codegen_flags: <defaults>
</compile_context>

<pallas_src>
import functools

import jax
import jax.numpy as jnp
from jax import lax
from jax.experimental import pallas as pl
from jax.experimental.pallas import tpu as pltpu
from jax.experimental.pallas import tpu_sc as plsc

N_NODES = 10000
D = 768
HK = 16
NSUB = 16
CW = 128
F32 = jnp.float32
I32 = jnp.int32


def _split3(a):
    a0 = a.astype(jnp.bfloat16).astype(F32)
    r = a - a0
    a1 = r.astype(jnp.bfloat16).astype(F32)
    return a0, a1, r - a1


def _dot(a, b):
    a0, a1, a2 = _split3(a)
    b0, b1, b2 = _split3(b)
    d = lambda x, y: jnp.dot(x, y, preferred_element_type=F32)
    return (((d(a0, b2) + d(a2, b0)) + d(a1, b1))
            + (d(a0, b1) + d(a1, b0))) + d(a0, b0)


def _dg3(a, b, dn):
    a0, a1, a2 = _split3(a)
    b0, b1, b2 = _split3(b)
    d = lambda x, y: lax.dot_general(x, y, dn, preferred_element_type=F32)
    return (((d(a0, b2) + d(a2, b0)) + d(a1, b1))
            + (d(a0, b1) + d(a1, b0))) + d(a0, b0)


def _sc_body(nchunks, hsz, csz, npad,
             edges, nodeidx, varv, zeros,
             hist_out, cnt_out, w_out, cvar_out,
             src_v, dst_v, key_c, dst_c, src_c, ones_c, wv_c, cvv_c,
             sym_v, cnt_l, var_v,
             hist_sp, cnt_sp, w_sp, cvar_sp):
    c = lax.axis_index("c")
    s = lax.axis_index("s")
    hslc = hsz // NSUB
    cslc = csz // NSUB

    pltpu.sync_copy(edges.at[c, 0, pl.ds(s * nchunks, nchunks)], src_v)
    pltpu.sync_copy(edges.at[c, 1, pl.ds(s * nchunks, nchunks)], dst_v)
    pltpu.sync_copy(nodeidx.at[c, 0], sym_v)
    pltpu.sync_copy(varv, var_v)

    pltpu.sync_copy(zeros.at[pl.ds(s * hslc, hslc)],
                    hist_sp.at[pl.ds(s * hslc, hslc)])
    pltpu.sync_copy(zeros.at[pl.ds(s * cslc, cslc)],
                    cnt_sp.at[pl.ds(s * cslc, cslc)])
    pltpu.sync_copy(zeros.at[pl.ds(s * cslc, cslc)],
                    w_sp.at[pl.ds(s * cslc, cslc)])
    pltpu.sync_copy(zeros.at[pl.ds(s * cslc, cslc)],
                    cvar_sp.at[pl.ds(s * cslc, cslc)])
    plsc.subcore_barrier()

    one16 = jnp.full((16,), 1.0, F32)
    for k in range(CW // 16):
        ones_c[pl.ds(k * 16, 16)] = one16

    def a_chunk(j, carry):
        for k in range(CW // 16):
            sl = pl.ds(k * 16, 16)
            src = src_v[j, sl]
            dst = dst_v[j, sl]
            sym = plsc.load_gather(sym_v, [src])
            key_c[sl] = dst * HK + sym
            dst_c[sl] = dst
        pltpu.sync_copy(ones_c, hist_sp.at[key_c], add=True)
        pltpu.sync_copy(ones_c, cnt_sp.at[dst_c], add=True)
        return carry

    lax.fori_loop(0, nchunks, a_chunk, 0)
    plsc.subcore_barrier()

    pltpu.sync_copy(cnt_sp, cnt_l)
    var16 = var_v[...]

    def b_chunk(j, carry):
        for k in range(CW // 16):
            sl = pl.ds(k * 16, 16)
            src = src_v[j, sl]
            dst = dst_v[j, sl]
            cv = plsc.load_gather(cnt_l, [dst])
            cm = jnp.maximum(cv, 1.0)
            r = 1.0 / cm
            r = r * (2.0 - cm * r)
            wv_c[sl] = r * (2.0 - cm * r)
            cvv_c[sl] = jnp.where(dst == var16, one16,
                                  jnp.zeros((16,), F32))
            src_c[sl] = src
        pltpu.sync_copy(wv_c, w_sp.at[src_c], add=True)
        pltpu.sync_copy(cvv_c, cvar_sp.at[src_c], add=True)
        return carry

    lax.fori_loop(0, nchunks, b_chunk, 0)
    plsc.subcore_barrier()

    pltpu.sync_copy(hist_sp.at[pl.ds(s * hslc, hslc)],
                    hist_out.at[c, 0, pl.ds(s * hslc, hslc)])
    pltpu.sync_copy(cnt_sp.at[pl.ds(s * cslc, cslc)],
                    cnt_out.at[c, 0, pl.ds(s * cslc, cslc)])
    pltpu.sync_copy(w_sp.at[pl.ds(s * cslc, cslc)],
                    w_out.at[c, 0, pl.ds(s * cslc, cslc)])
    pltpu.sync_copy(cvar_sp.at[pl.ds(s * cslc, cslc)],
                    cvar_out.at[c, 0, pl.ds(s * cslc, cslc)])


def _edge_stats(edges, nodeidx, varv, zeros, nchunks, hsz, csz, npad):
    ept = nchunks * CW
    mesh = plsc.VectorSubcoreMesh(core_axis_name="c", subcore_axis_name="s")
    body = functools.partial(_sc_body, nchunks, hsz, csz, npad)
    k = pl.kernel(
        body,
        out_type=[
            jax.ShapeDtypeStruct((2, 1, hsz), F32),
            jax.ShapeDtypeStruct((2, 1, csz), F32),
            jax.ShapeDtypeStruct((2, 1, csz), F32),
            jax.ShapeDtypeStruct((2, 1, csz), F32),
        ],
        mesh=mesh,
        compiler_params=pltpu.CompilerParams(needs_layout_passes=False),
        scratch_types=[
            pltpu.VMEM((nchunks, CW), I32),
            pltpu.VMEM((nchunks, CW), I32),
            pltpu.VMEM((CW,), I32),
            pltpu.VMEM((CW,), I32),
            pltpu.VMEM((CW,), I32),
            pltpu.VMEM((CW,), F32),
            pltpu.VMEM((CW,), F32),
            pltpu.VMEM((CW,), F32),
            pltpu.VMEM((npad,), I32),
            pltpu.VMEM((csz,), F32),
            pltpu.VMEM((16,), I32),
            pltpu.VMEM_SHARED((hsz,), F32),
            pltpu.VMEM_SHARED((csz,), F32),
            pltpu.VMEM_SHARED((csz,), F32),
            pltpu.VMEM_SHARED((csz,), F32),
        ],
    )
    return k(edges, nodeidx, varv, zeros)


def _tc_body(ntiles, tsz,
             hist_ref, nidx_ref, cnt_ref, wt_ref, sym_ref,
             wl1t_ref, wr1t_ref, wl2t_ref, wr2t_ref,
             bl1_ref, bl2_ref, wlint_ref, blin_ref,
             wo_ref, ov_ref, op_ref, lab_ref, cv_ref,
             loss_ref, sc_ref, emb_ref,
             acc, ab):
    i = pl.program_id(0)
    g = i // ntiles

    @pl.when(i == 0)
    def _init():
        s16 = sym_ref[...]
        ab[0:16, :] = _dot(s16, wl1t_ref[...])
        ab[16:32, :] = _dot(s16, wr1t_ref[...])
        acc[...] = jnp.zeros((2, 8, D), F32)

    cnt = cnt_ref[0, 0, :]
    c = jnp.maximum(cnt, 1.0)
    recip = 1.0 / c
    recip = recip * (2.0 - c * recip)
    m = hist_ref[0] * recip[:, None]
    ni = nidx_ref[0, 0, :]
    onehot = (ni[:, None] == lax.broadcasted_iota(I32, (tsz, HK), 1)
              ).astype(F32)
    x = jnp.concatenate([m, onehot], axis=1)
    h = jnp.maximum(_dot(x, ab[...]) + bl1_ref[...], 0.0)
    wt = wt_ref[0]
    contrib = _dg3(wt, h, (((0,), (0,)), ((), ())))
    cur = acc[pl.ds(g, 1)]
    acc[pl.ds(g, 1)] = cur + contrib[None]

    @pl.when(i == 2 * ntiles - 1)
    def _epilogue():
        s1 = acc[0]
        s2 = acc[1]
        n = float(N_NODES)
        u1, v1, rc1, re1 = s1[0:1], s1[1:2], s1[2:3], s1[3:4]
        u2, v2 = s2[0:1], s2[1:2]
        cv = cv_ref[...]
        wl2t = wl2t_ref[...]
        wr2t = wr2t_ref[...]
        bl2 = bl2_ref[...]
        rcv = 1.0 / cv
        rcv = rcv * (2.0 - cv * rcv)
        e1 = _dot(u1 * (1.0 / n), wl2t) + bl2 + _dot(v1 * (1.0 / n), wr2t)
        e2 = _dot(rc1 * rcv, wl2t) + bl2 + _dot(re1, wr2t)
        et = _dot(u2 * (1.0 / n), wl2t) + bl2 + _dot(v2 * (1.0 / n), wr2t)
        eo = (_dot(e1, wlint_ref[0]) + _dot(e2, wlint_ref[1])
              + _dot(e1 * e2, wlint_ref[2]) + blin_ref[...])
        op1h = op_ref[...]
        wo_sel = _dot(op1h, wo_ref[...])
        ov_sel = _dot(op1h, ov_ref[...])
        a = eo * wo_sel
        b = et + ov_sel
        na = jnp.maximum(jnp.sqrt(jnp.sum(a * a, axis=1, keepdims=True)),
                         1e-8)
        nb = jnp.maximum(jnp.sqrt(jnp.sum(b * b, axis=1, keepdims=True)),
                         1e-8)
        q = na * nb
        rq = 1.0 / q
        rq = rq * (2.0 - q * rq)
        sc = jnp.sum(a * b, axis=1, keepdims=True) * rq
        lab = lab_ref[...]
        loss_ref[...] = (sc - lab) ** 2
        sc_ref[...] = sc
        emb_ref[...] = a


def _dense(histr, nidx, cntb, wt, sym16, wl1t, wr1t, wl2t, wr2t,
           bl1, bl2, wlint, blin, wo, ov, op1h, lab, cv, ntiles, tsz):
    full = lambda shp: pl.BlockSpec(shp, lambda i: tuple(0 for _ in shp))
    grid = (2 * ntiles,)
    body = functools.partial(_tc_body, ntiles, tsz)
    return pl.pallas_call(
        body,
        grid=grid,
        in_specs=[
            pl.BlockSpec((1, tsz, HK), lambda i: (i, 0, 0)),
            pl.BlockSpec((1, 1, tsz), lambda i: (i, 0, 0)),
            pl.BlockSpec((1, 1, tsz), lambda i: (i, 0, 0)),
            pl.BlockSpec((1, tsz, 8), lambda i: (i, 0, 0)),
            full((16, D)),
            full((D, D)), full((D, D)), full((D, D)), full((D, D)),
            full((1, D)), full((1, D)),
            full((3, D, D)), full((1, D)),
            full((16, D)), full((16, D)), full((1, 16)),
            full((1, 1)), full((1, 1)),
        ],
        out_specs=[full((1, 1)), full((1, 1)), full((1, D))],
        out_shape=[
            jax.ShapeDtypeStruct((1, 1), F32),
            jax.ShapeDtypeStruct((1, 1), F32),
            jax.ShapeDtypeStruct((1, D), F32),
        ],
        scratch_shapes=[
            pltpu.VMEM((2, 8, D), F32),
            pltpu.VMEM((32, D), F32),
        ],
    )(histr, nidx, cntb, wt, sym16, wl1t, wr1t, wl2t, wr2t,
      bl1, bl2, wlint, blin, wo, ov, op1h, lab, cv)


def kernel(eq1_node_idx, eq1_edge_index, eq1_var_idx, tar_node_idx,
           tar_edge_index, operation, labels, symbol, Wo, ov, W_lin, b_lin,
           Wl1, bl1, Wr1, Wl2, bl2, Wr2):
    n = N_NODES
    e = eq1_edge_index.shape[1]

    nchunks = -(-e // (NSUB * CW * 8)) * 8
    e_pad = NSUB * CW * nchunks
    csz = -(-(n + 1) // (NSUB * CW)) * (NSUB * CW)
    hsz = csz * HK
    npad = csz

    def pad_edges(ei):
        ei = ei.astype(I32)
        ei = jnp.pad(ei, ((0, 0), (0, e_pad - e)), constant_values=n)
        return ei.reshape(2, NSUB * nchunks, CW)

    edges = jnp.stack([pad_edges(eq1_edge_index), pad_edges(tar_edge_index)])
    nodeidx = jnp.stack([
        jnp.pad(eq1_node_idx.astype(I32), (0, npad - n)),
        jnp.pad(tar_node_idx.astype(I32), (0, npad - n)),
    ]).reshape(2, 1, npad)
    var = jnp.asarray(eq1_var_idx, I32)
    varv = jnp.full((16,), var, I32)
    zeros = jnp.zeros((hsz,), F32)

    hist2, cnt2, w2, cvar2 = _edge_stats(edges, nodeidx, varv, zeros,
                                         nchunks, hsz, csz, npad)

    ntiles = 10
    tsz = n // ntiles
    histr = hist2.reshape(2, csz, HK)[:, :n, :].reshape(2 * ntiles, tsz, HK)
    cnt = cnt2.reshape(2, csz)[:, :n]
    cntb = cnt.reshape(2 * ntiles, 1, tsz)
    nidx = nodeidx.reshape(2, npad)[:, :n].reshape(2 * ntiles, 1, tsz)
    w = w2.reshape(2, csz)[:, :n]
    cvar = cvar2.reshape(2, csz)[:, :n]
    evar = (jnp.arange(n, dtype=I32) == var).astype(F32)
    zcol = jnp.zeros((2, n), F32)
    wt = jnp.stack([
        w,
        jnp.ones((2, n), F32),
        jnp.stack([cvar[0], jnp.zeros((n,), F32)]),
        jnp.stack([evar, jnp.zeros((n,), F32)]),
        zcol, zcol, zcol, zcol,
    ], axis=2).reshape(2 * ntiles, tsz, 8)

    sym16 = jnp.zeros((16, D), F32).at[:symbol.shape[0]].set(symbol)
    wlint = W_lin.reshape(D, 3, D).transpose(1, 2, 0)
    op1h = (jnp.arange(16, dtype=I32) ==
            (jnp.asarray(operation, I32) - 1)).astype(F32).reshape(1, 16)
    cv = jnp.maximum(cnt[0, var], 1.0).reshape(1, 1)
    lab = labels.astype(F32).reshape(1, 1)

    loss, scores, emb = _dense(
        histr, nidx, cntb, wt, sym16,
        Wl1.T, Wr1.T, Wl2.T, Wr2.T,
        bl1.reshape(1, D), bl2.reshape(1, D), wlint, b_lin.reshape(1, D),
        Wo, ov, op1h, lab, cv, ntiles, tsz)

    return (loss.reshape(()), scores.reshape(1), labels, emb.reshape(D))

# --- scband reference (transcript-rebuilt; emitter-appended) ---
"""Pipeline reference for scband-graph-latent-reasoning-graph-sage-28174985462349 (READ-ONLY COPY).

The authoritative reference and input builder live on the scoring server;
editing this copy changes nothing except your own understanding.
"""

import jax, jax.numpy as jnp
import numpy as np

N_NODES = 10000
N_EDGES = 100000
D = 768
N_SYM = 9
N_OPS = 16


def setup_inputs(seed: int = 0) -> dict:
    key = jax.random.key(seed)
    ks = jax.random.split(key, 20)
    s3 = 1.0 / np.sqrt(3 * D)
    s1 = 1.0 / np.sqrt(D)
    inp = {}
    inp["eq1_node_idx"] = jax.random.randint(ks[0], (N_NODES,), 0, N_SYM)
    inp["eq1_edge_index"] = jax.random.randint(ks[1], (2, N_EDGES), 0, N_NODES)
    inp["eq1_var_idx"] = 5
    inp["tar_node_idx"] = jax.random.randint(ks[2], (N_NODES,), 0, N_SYM)
    inp["tar_edge_index"] = jax.random.randint(ks[3], (2, N_EDGES), 0, N_NODES)
    inp["operation"] = 3
    inp["labels"] = jax.random.normal(ks[4], (1,), dtype=jnp.float32)
    inp["symbol"] = jax.random.uniform(ks[5], (N_SYM, D), minval=-1.0, maxval=1.0, dtype=jnp.float32)
    inp["Wo"] = jax.random.uniform(ks[6], (N_OPS, D), minval=-1.0, maxval=1.0, dtype=jnp.float32)
    inp["ov"] = 0.001 * jax.random.normal(ks[7], (N_OPS, D), dtype=jnp.float32)
    inp["W_lin"] = jax.random.uniform(ks[8], (D, 3 * D), minval=-s3, maxval=s3, dtype=jnp.float32)
    inp["b_lin"] = jax.random.uniform(ks[9], (D,), minval=-s3, maxval=s3, dtype=jnp.float32)
    inp["Wl1"] = jax.random.uniform(ks[10], (D, D), minval=-s1, maxval=s1, dtype=jnp.float32)
    inp["bl1"] = jax.random.uniform(ks[11], (D,), minval=-s1, maxval=s1, dtype=jnp.float32)
    inp["Wr1"] = jax.random.uniform(ks[12], (D, D), minval=-s1, maxval=s1, dtype=jnp.float32)
    inp["Wl2"] = jax.random.uniform(ks[13], (D, D), minval=-s1, maxval=s1, dtype=jnp.float32)
    inp["bl2"] = jax.random.uniform(ks[14], (D,), minval=-s1, maxval=s1, dtype=jnp.float32)
    inp["Wr2"] = jax.random.uniform(ks[15], (D, D), minval=-s1, maxval=s1, dtype=jnp.float32)
    return inp


def _sage_conv(x, src, dst, Wl, bl, Wr):
    # PyG SAGEConv: out = lin_l(mean_{j->i} x_j) + lin_r(x_i); lin_l has bias, lin_r does not.
    n = x.shape[0]
    msgs = jnp.take(x, src, axis=0)
    sums = jax.ops.segment_sum(msgs, dst, num_segments=n)
    cnt = jax.ops.segment_sum(jnp.ones((src.shape[0],), dtype=x.dtype), dst, num_segments=n)
    mean = sums / jnp.maximum(cnt, 1.0)[:, None]
    return mean @ Wl.T + bl + x @ Wr.T


def _encoder(x, edge_index, Wl1, bl1, Wr1, Wl2, bl2, Wr2):
    src = edge_index[0]
    dst = edge_index[1]
    h = _sage_conv(x, src, dst, Wl1, bl1, Wr1)
    h = jax.nn.relu(h)  # GraphSAGE inter-layer activation (dropout inactive in eval)
    h = _sage_conv(h, src, dst, Wl2, bl2, Wr2)
    return h


def _cosine(a, b, eps=1e-8):
    na = jnp.maximum(jnp.linalg.norm(a, axis=1), eps)
    nb = jnp.maximum(jnp.linalg.norm(b, axis=1), eps)
    return jnp.sum(a * b, axis=1) / (na * nb)


def reference(eq1_node_idx, eq1_edge_index, eq1_var_idx, tar_node_idx, tar_edge_index, operation, labels, symbol, Wo, ov, W_lin, b_lin, Wl1, bl1, Wr1, Wl2, bl2, Wr2):
    Wo_sel = Wo[operation - 1]
    ov_sel = ov[operation - 1]
    # generate_edge_emb: gather symbol embeddings for every node
    x1 = jnp.take(symbol, eq1_node_idx, axis=0)
    h1 = _encoder(x1, eq1_edge_index, Wl1, bl1, Wr1, Wl2, bl2, Wr2)
    emb_eq1 = jnp.mean(h1, axis=0)
    emb_eq2 = h1[eq1_var_idx]
    xt = jnp.take(symbol, tar_node_idx, axis=0)
    ht = _encoder(xt, tar_edge_index, Wl1, bl1, Wr1, Wl2, bl2, Wr2)
    emb_tar = jnp.mean(ht, axis=0)
    features = jnp.concatenate([emb_eq1, emb_eq2, emb_eq1 * emb_eq2], axis=0)
    emb_out = W_lin @ features + b_lin
    emb_out = emb_out * Wo_sel
    tgt = emb_tar + ov_sel
    scores = _cosine(emb_out[None, :], tgt[None, :])
    loss = jnp.mean((scores - labels) ** 2)
    return (loss, scores, labels, emb_out)

if __name__ == "__main__":
    import jax
    _d = setup_inputs()
    print(jax.jit(kernel)(*tuple(_d.values())))

</pallas_src>

<mosaic_0001>
#map = affine_map<(d0, d1) -> (0, 0, 0, 0)>
#map1 = affine_map<(d0, d1) -> (0, 0, 0)>
#map2 = affine_map<(d0, d1) -> (0)>
module attributes {stable_mosaic.version = 14 : i64} {
  func.func @_sc_body(%arg0: i32, %arg1: i32, %arg2: memref<2x2x896x128xi32, #tpu.memory_space<hbm>>, %arg3: memref<2x1x10240xi32, #tpu.memory_space<hbm>>, %arg4: memref<16xi32, #tpu.memory_space<hbm>>, %arg5: memref<163840xf32, #tpu.memory_space<hbm>>, %arg6: memref<2x1x163840xf32, #tpu.memory_space<hbm>>, %arg7: memref<2x1x10240xf32, #tpu.memory_space<hbm>>, %arg8: memref<2x1x10240xf32, #tpu.memory_space<hbm>>, %arg9: memref<2x1x10240xf32, #tpu.memory_space<hbm>>, %arg10: memref<56x128xi32, #tpu.memory_space<vmem>>, %arg11: memref<56x128xi32, #tpu.memory_space<vmem>>, %arg12: memref<128xi32, #tpu.memory_space<vmem>>, %arg13: memref<128xi32, #tpu.memory_space<vmem>>, %arg14: memref<128xi32, #tpu.memory_space<vmem>>, %arg15: memref<128xf32, #tpu.memory_space<vmem>>, %arg16: memref<128xf32, #tpu.memory_space<vmem>>, %arg17: memref<128xf32, #tpu.memory_space<vmem>>, %arg18: memref<10240xi32, #tpu.memory_space<vmem>>, %arg19: memref<10240xf32, #tpu.memory_space<vmem>>, %arg20: memref<16xi32, #tpu.memory_space<vmem>>, %arg21: memref<163840xf32, #tpu.memory_space<vmem_shared>>, %arg22: memref<10240xf32, #tpu.memory_space<vmem_shared>>, %arg23: memref<10240xf32, #tpu.memory_space<vmem_shared>>, %arg24: memref<10240xf32, #tpu.memory_space<vmem_shared>>) attributes {dimension_semantics = [#tpu.dimension_semantics<core_parallel>, #tpu.dimension_semantics<subcore_parallel>], iteration_bounds = array<i64: 2, 16>, scalar_prefetch = 0 : i64, scratch_operands = 15 : i64, tpu.core_type = #tpu.core_type<sc_vector_subcore>, window_params = [{transform_indices = #map}, {transform_indices = #map1}, {transform_indices = #map2}, {transform_indices = #map2}, {transform_indices = #map1}, {transform_indices = #map1}, {transform_indices = #map1}, {transform_indices = #map1}]} {
    %mul3A = arith.constant 56 : i32
    %mul3A_0 = arith.muli %arg1, %mul3A : i32
    %run_scoped3A = arith.constant 0 : i32
    "tpu.region"() ({
      %run_scoped3A_71 = tpu.sem_alloc : memref<!tpu.dma_semaphore, #tpu.memory_space<semaphore_mem>>
      %dma_start3A = arith.constant 0 : i32
      %dma_start3A_72 = tpu.memref_slice %arg2[%arg0, %run_scoped3A, %mul3A_0, %dma_start3A] : memref<2x2x896x128xi32, #tpu.memory_space<hbm>> -> memref<1x1x56x128xi32, #tpu.memory_space<hbm>>
      %dma_start3A_73 = tpu.memref_squeeze %dma_start3A_72 : memref<1x1x56x128xi32, #tpu.memory_space<hbm>> -> memref<56x128xi32, #tpu.memory_space<hbm>>
      %dma_start3A_74 = arith.constant 0 : i32
      %dma_start3A_75 = tpu.memref_slice %arg2[%arg0, %run_scoped3A, %mul3A_0, %dma_start3A_74] : memref<2x2x896x128xi32, #tpu.memory_space<hbm>> -> memref<1x1x56x128xi32, #tpu.memory_space<hbm>>
      %dma_start3A_76 = tpu.memref_squeeze %dma_start3A_75 : memref<1x1x56x128xi32, #tpu.memory_space<hbm>> -> memref<56x128xi32, #tpu.memory_space<hbm>>
      tpu.enqueue_dma source(%dma_start3A_76 : memref<56x128xi32, #tpu.memory_space<hbm>>) target(%arg10 : memref<56x128xi32, #tpu.memory_space<vmem>>) target_semaphore(%run_scoped3A_71 : memref<!tpu.dma_semaphore, #tpu.memory_space<semaphore_mem>>)
      %dma_wait3A = arith.constant 0 : i32
      %dma_wait3A_77 = tpu.memref_slice %arg2[%arg0, %run_scoped3A, %mul3A_0, %dma_wait3A] : memref<2x2x896x128xi32, #tpu.memory_space<hbm>> -> memref<1x1x56x128xi32, #tpu.memory_space<hbm>>
      %dma_wait3A_78 = tpu.memref_squeeze %dma_wait3A_77 : memref<1x1x56x128xi32, #tpu.memory_space<hbm>> -> memref<56x128xi32, #tpu.memory_space<hbm>>
      %dma_wait3A_79 = arith.constant 0 : i32
      %dma_wait3A_80 = tpu.memref_slice %arg2[%arg0, %run_scoped3A, %mul3A_0, %dma_wait3A_79] : memref<2x2x896x128xi32, #tpu.memory_space<hbm>> -> memref<1x1x56x128xi32, #tpu.memory_space<hbm>>
      %dma_wait3A_81 = tpu.memref_squeeze %dma_wait3A_80 : memref<1x1x56x128xi32, #tpu.memory_space<hbm>> -> memref<56x128xi32, #tpu.memory_space<hbm>>
      tpu.wait_dma2 semaphore(%run_scoped3A_71 : memref<!tpu.dma_semaphore, #tpu.memory_space<semaphore_mem>>) src(%dma_wait3A_81 : memref<56x128xi32, #tpu.memory_space<hbm>>) dst(%arg10 : memref<56x128xi32, #tpu.memory_space<vmem>>)
      tpu.yield
    }) : () -> ()
    %mul3A_1 = arith.constant 56 : i32
    %mul3A_2 = arith.muli %arg1, %mul3A_1 : i32
    %run_scoped3A_3 = arith.constant 1 : i32
    "tpu.region"() ({
      %run_scoped3A_71 = tpu.sem_alloc : memref<!tpu.dma_semaphore, #tpu.memory_space<semaphore_mem>>
      %dma_start3A = arith.constant 0 : i32
      %dma_start3A_72 = tpu.memref_slice %arg2[%arg0, %run_scoped3A_3, %mul3A_2, %dma_start3A] : memref<2x2x896x128xi32, #tpu.memory_space<hbm>> -> memref<1x1x56x128xi32, #tpu.memory_space<hbm>>
      %dma_start3A_73 = tpu.memref_squeeze %dma_start3A_72 : memref<1x1x56x128xi32, #tpu.memory_space<hbm>> -> memref<56x128xi32, #tpu.memory_space<hbm>>
      %dma_start3A_74 = arith.constant 0 : i32
      %dma_start3A_75 = tpu.memref_slice %arg2[%arg0, %run_scoped3A_3, %mul3A_2, %dma_start3A_74] : memref<2x2x896x128xi32, #tpu.memory_space<hbm>> -> memref<1x1x56x128xi32, #tpu.memory_space<hbm>>
      %dma_start3A_76 = tpu.memref_squeeze %dma_start3A_75 : memref<1x1x56x128xi32, #tpu.memory_space<hbm>> -> memref<56x128xi32, #tpu.memory_space<hbm>>
      tpu.enqueue_dma source(%dma_start3A_76 : memref<56x128xi32, #tpu.memory_space<hbm>>) target(%arg11 : memref<56x128xi32, #tpu.memory_space<vmem>>) target_semaphore(%run_scoped3A_71 : memref<!tpu.dma_semaphore, #tpu.memory_space<semaphore_mem>>)
      %dma_wait3A = arith.constant 0 : i32
      %dma_wait3A_77 = tpu.memref_slice %arg2[%arg0, %run_scoped3A_3, %mul3A_2, %dma_wait3A] : memref<2x2x896x128xi32, #tpu.memory_space<hbm>> -> memref<1x1x56x128xi32, #tpu.memory_space<hbm>>
      %dma_wait3A_78 = tpu.memref_squeeze %dma_wait3A_77 : memref<1x1x56x128xi32, #tpu.memory_space<hbm>> -> memref<56x128xi32, #tpu.memory_space<hbm>>
      %dma_wait3A_79 = arith.constant 0 : i32
      %dma_wait3A_80 = tpu.memref_slice %arg2[%arg0, %run_scoped3A_3, %mul3A_2, %dma_wait3A_79] : memref<2x2x896x128xi32, #tpu.memory_space<hbm>> -> memref<1x1x56x128xi32, #tpu.memory_space<hbm>>
      %dma_wait3A_81 = tpu.memref_squeeze %dma_wait3A_80 : memref<1x1x56x128xi32, #tpu.memory_space<hbm>> -> memref<56x128xi32, #tpu.memory_space<hbm>>
      tpu.wait_dma2 semaphore(%run_scoped3A_71 : memref<!tpu.dma_semaphore, #tpu.memory_space<semaphore_mem>>) src(%dma_wait3A_81 : memref<56x128xi32, #tpu.memory_space<hbm>>) dst(%arg11 : memref<56x128xi32, #tpu.memory_space<vmem>>)
      tpu.yield
    }) : () -> ()
    %run_scoped3A_4 = arith.constant 0 : i32
    "tpu.region"() ({
      %run_scoped3A_71 = tpu.sem_alloc : memref<!tpu.dma_semaphore, #tpu.memory_space<semaphore_mem>>
      %dma_start3A = arith.constant 0 : i32
      %dma_start3A_72 = tpu.memref_slice %arg3[%arg0, %run_scoped3A_4, %dma_start3A] : memref<2x1x10240xi32, #tpu.memory_space<hbm>> -> memref<1x1x10240xi32, #tpu.memory_space<hbm>>
      %dma_start3A_73 = tpu.memref_squeeze %dma_start3A_72 : memref<1x1x10240xi32, #tpu.memory_space<hbm>> -> memref<10240xi32, #tpu.memory_space<hbm>>
      %dma_start3A_74 = arith.constant 0 : i32
      %dma_start3A_75 = tpu.memref_slice %arg3[%arg0, %run_scoped3A_4, %dma_start3A_74] : memref<2x1x10240xi32, #tpu.memory_space<hbm>> -> memref<1x1x10240xi32, #tpu.memory_space<hbm>>
      %dma_start3A_76 = tpu.memref_squeeze %dma_start3A_75 : memref<1x1x10240xi32, #tpu.memory_space<hbm>> -> memref<10240xi32, #tpu.memory_space<hbm>>
      tpu.enqueue_dma source(%dma_start3A_76 : memref<10240xi32, #tpu.memory_space<hbm>>) target(%arg18 : memref<10240xi32, #tpu.memory_space<vmem>>) target_semaphore(%run_scoped3A_71 : memref<!tpu.dma_semaphore, #tpu.memory_space<semaphore_mem>>)
      %dma_wait3A = arith.constant 0 : i32
      %dma_wait3A_77 = tpu.memref_slice %arg3[%arg0, %run_scoped3A_4, %dma_wait3A] : memref<2x1x10240xi32, #tpu.memory_space<hbm>> -> memref<1x1x10240xi32, #tpu.memory_space<hbm>>
      %dma_wait3A_78 = tpu.memref_squeeze %dma_wait3A_77 : memref<1x1x10240xi32, #tpu.memory_space<hbm>> -> memref<10240xi32, #tpu.memory_space<hbm>>
      %dma_wait3A_79 = arith.constant 0 : i32
      %dma_wait3A_80 = tpu.memref_slice %arg3[%arg0, %run_scoped3A_4, %dma_wait3A_79] : memref<2x1x10240xi32, #tpu.memory_space<hbm>> -> memref<1x1x10240xi32, #tpu.memory_space<hbm>>
      %dma_wait3A_81 = tpu.memref_squeeze %dma_wait3A_80 : memref<1x1x10240xi32, #tpu.memory_space<hbm>> -> memref<10240xi32, #tpu.memory_space<hbm>>
      tpu.wait_dma2 semaphore(%run_scoped3A_71 : memref<!tpu.dma_semaphore, #tpu.memory_space<semaphore_mem>>) src(%dma_wait3A_81 : memref<10240xi32, #tpu.memory_space<hbm>>) dst(%arg18 : memref<10240xi32, #tpu.memory_space<vmem>>)
      tpu.yield
    }) : () -> ()
    "tpu.region"() ({
      %run_scoped3A_71 = tpu.sem_alloc : memref<!tpu.dma_semaphore, #tpu.memory_space<semaphore_mem>>
      tpu.enqueue_dma source(%arg4 : memref<16xi32, #tpu.memory_space<hbm>>) target(%arg20 : memref<16xi32, #tpu.memory_space<vmem>>) target_semaphore(%run_scoped3A_71 : memref<!tpu.dma_semaphore, #tpu.memory_space<semaphore_mem>>)
      tpu.wait_dma2 semaphore(%run_scoped3A_71 : memref<!tpu.dma_semaphore, #tpu.memory_space<semaphore_mem>>) src(%arg4 : memref<16xi32, #tpu.memory_space<hbm>>) dst(%arg20 : memref<16xi32, #tpu.memory_space<vmem>>)
      tpu.yield
    }) : () -> ()
    %mul3A_5 = arith.constant 10240 : i32
    %mul3A_6 = arith.muli %arg1, %mul3A_5 : i32
    %mul3A_7 = arith.constant 10240 : i32
    %mul3A_8 = arith.muli %arg1, %mul3A_7 : i32
    "tpu.region"() ({
      %run_scoped3A_71 = tpu.sem_alloc : memref<!tpu.dma_semaphore, #tpu.memory_space<semaphore_mem>>
      %dma_start3A = tpu.memref_slice %arg21[%mul3A_8] : memref<163840xf32, #tpu.memory_space<vmem_shared>> -> memref<10240xf32, #tpu.memory_space<vmem_shared>>
      %dma_start3A_72 = tpu.memref_slice %arg5[%mul3A_6] : memref<163840xf32, #tpu.memory_space<hbm>> -> memref<10240xf32, #tpu.memory_space<hbm>>
      tpu.enqueue_dma source(%dma_start3A_72 : memref<10240xf32, #tpu.memory_space<hbm>>) target(%dma_start3A : memref<10240xf32, #tpu.memory_space<vmem_shared>>) target_semaphore(%run_scoped3A_71 : memref<!tpu.dma_semaphore, #tpu.memory_space<semaphore_mem>>)
      %dma_wait3A = tpu.memref_slice %arg21[%mul3A_8] : memref<163840xf32, #tpu.memory_space<vmem_shared>> -> memref<10240xf32, #tpu.memory_space<vmem_shared>>
      %dma_wait3A_73 = tpu.memref_slice %arg5[%mul3A_6] : memref<163840xf32, #tpu.memory_space<hbm>> -> memref<10240xf32, #tpu.memory_space<hbm>>
      tpu.wait_dma2 semaphore(%run_scoped3A_71 : memref<!tpu.dma_semaphore, #tpu.memory_space<semaphore_mem>>) src(%dma_wait3A_73 : memref<10240xf32, #tpu.memory_space<hbm>>) dst(%dma_wait3A : memref<10240xf32, #tpu.memory_space<vmem_shared>>)
      tpu.yield
    }) : () -> ()
    %mul3A_9 = arith.constant 640 : i32
    %mul3A_10 = arith.muli %arg1, %mul3A_9 : i32
    %mul3A_11 = arith.constant 640 : i32
    %mul3A_12 = arith.muli %arg1, %mul3A_11 : i32
    "tpu.region"() ({
      %run_scoped3A_71 = tpu.sem_alloc : memref<!tpu.dma_semaphore, #tpu.memory_space<semaphore_mem>>
      %dma_start3A = tpu.memref_slice %arg22[%mul3A_12] : memref<10240xf32, #tpu.memory_space<vmem_shared>> -> memref<640xf32, #tpu.memory_space<vmem_shared>>
      %dma_start3A_72 = tpu.memref_slice %arg5[%mul3A_10] : memref<163840xf32, #tpu.memory_space<hbm>> -> memref<640xf32, #tpu.memory_space<hbm>>
      tpu.enqueue_dma source(%dma_start3A_72 : memref<640xf32, #tpu.memory_space<hbm>>) target(%dma_start3A : memref<640xf32, #tpu.memory_space<vmem_shared>>) target_semaphore(%run_scoped3A_71 : memref<!tpu.dma_semaphore, #tpu.memory_space<semaphore_mem>>)
      %dma_wait3A = tpu.memref_slice %arg22[%mul3A_12] : memref<10240xf32, #tpu.memory_space<vmem_shared>> -> memref<640xf32, #tpu.memory_space<vmem_shared>>
      %dma_wait3A_73 = tpu.memref_slice %arg5[%mul3A_10] : memref<163840xf32, #tpu.memory_space<hbm>> -> memref<640xf32, #tpu.memory_space<hbm>>
      tpu.wait_dma2 semaphore(%run_scoped3A_71 : memref<!tpu.dma_semaphore, #tpu.memory_space<semaphore_mem>>) src(%dma_wait3A_73 : memref<640xf32, #tpu.memory_space<hbm>>) dst(%dma_wait3A : memref<640xf32, #tpu.memory_space<vmem_shared>>)
      tpu.yield
    }) : () -> ()
    %mul3A_13 = arith.constant 640 : i32
    %mul3A_14 = arith.muli %arg1, %mul3A_13 : i32
    %mul3A_15 = arith.constant 640 : i32
    %mul3A_16 = arith.muli %arg1, %mul3A_15 : i32
    "tpu.region"() ({
      %run_scoped3A_71 = tpu.sem_alloc : memref<!tpu.dma_semaphore, #tpu.memory_space<semaphore_mem>>
      %dma_start3A = tpu.memref_slice %arg23[%mul3A_16] : memref<10240xf32, #tpu.memory_space<vmem_shared>> -> memref<640xf32, #tpu.memory_space<vmem_shared>>
      %dma_start3A_72 = tpu.memref_slice %arg5[%mul3A_14] : memref<163840xf32, #tpu.memory_space<hbm>> -> memref<640xf32, #tpu.memory_space<hbm>>
      tpu.enqueue_dma source(%dma_start3A_72 : memref<640xf32, #tpu.memory_space<hbm>>) target(%dma_start3A : memref<640xf32, #tpu.memory_space<vmem_shared>>) target_semaphore(%run_scoped3A_71 : memref<!tpu.dma_semaphore, #tpu.memory_space<semaphore_mem>>)
      %dma_wait3A = tpu.memref_slice %arg23[%mul3A_16] : memref<10240xf32, #tpu.memory_space<vmem_shared>> -> memref<640xf32, #tpu.memory_space<vmem_shared>>
      %dma_wait3A_73 = tpu.memref_slice %arg5[%mul3A_14] : memref<163840xf32, #tpu.memory_space<hbm>> -> memref<640xf32, #tpu.memory_space<hbm>>
      tpu.wait_dma2 semaphore(%run_scoped3A_71 : memref<!tpu.dma_semaphore, #tpu.memory_space<semaphore_mem>>) src(%dma_wait3A_73 : memref<640xf32, #tpu.memory_space<hbm>>) dst(%dma_wait3A : memref<640xf32, #tpu.memory_space<vmem_shared>>)
      tpu.yield
    }) : () -> ()
    %mul3A_17 = arith.constant 640 : i32
    %mul3A_18 = arith.muli %arg1, %mul3A_17 : i32
    %mul3A_19 = arith.constant 640 : i32
    %mul3A_20 = arith.muli %arg1, %mul3A_19 : i32
    "tpu.region"() ({
      %run_scoped3A_71 = tpu.sem_alloc : memref<!tpu.dma_semaphore, #tpu.memory_space<semaphore_mem>>
      %dma_start3A = tpu.memref_slice %arg24[%mul3A_20] : memref<10240xf32, #tpu.memory_space<vmem_shared>> -> memref<640xf32, #tpu.memory_space<vmem_shared>>
      %dma_start3A_72 = tpu.memref_slice %arg5[%mul3A_18] : memref<163840xf32, #tpu.memory_space<hbm>> -> memref<640xf32, #tpu.memory_space<hbm>>
      tpu.enqueue_dma source(%dma_start3A_72 : memref<640xf32, #tpu.memory_space<hbm>>) target(%dma_start3A : memref<640xf32, #tpu.memory_space<vmem_shared>>) target_semaphore(%run_scoped3A_71 : memref<!tpu.dma_semaphore, #tpu.memory_space<semaphore_mem>>)
      %dma_wait3A = tpu.memref_slice %arg24[%mul3A_20] : memref<10240xf32, #tpu.memory_space<vmem_shared>> -> memref<640xf32, #tpu.memory_space<vmem_shared>>
      %dma_wait3A_73 = tpu.memref_slice %arg5[%mul3A_18] : memref<163840xf32, #tpu.memory_space<hbm>> -> memref<640xf32, #tpu.memory_space<hbm>>
      tpu.wait_dma2 semaphore(%run_scoped3A_71 : memref<!tpu.dma_semaphore, #tpu.memory_space<semaphore_mem>>) src(%dma_wait3A_73 : memref<640xf32, #tpu.memory_space<hbm>>) dst(%dma_wait3A : memref<640xf32, #tpu.memory_space<vmem_shared>>)
      tpu.yield
    }) : () -> ()
    %barrier3A = arith.constant 0 : index
    tpu.barrier barrier_id(%barrier3A)
    %broadcast_in_dim3A = arith.constant 1.000000e+00 : f32
    %broadcast_in_dim3A_21 = vector.broadcast %broadcast_in_dim3A : f32 to vector<16xf32>
    %swap3A = arith.constant 0 : index
    %swap3A_22 = tpu.vector_load %arg15[%swap3A] {strides = array<i32>} : memref<128xf32, #tpu.memory_space<vmem>>, vector<16xf32>,
    tpu.vector_store %arg15[%swap3A], %broadcast_in_dim3A_21 {strides = array<i32>} : memref<128xf32, #tpu.memory_space<vmem>>, vector<16xf32>,
    %swap3A_23 = arith.constant 16 : index
    %swap3A_24 = tpu.vector_load %arg15[%swap3A_23] {strides = array<i32>} : memref<128xf32, #tpu.memory_space<vmem>>, vector<16xf32>,
    tpu.vector_store %arg15[%swap3A_23], %broadcast_in_dim3A_21 {strides = array<i32>} : memref<128xf32, #tpu.memory_space<vmem>>, vector<16xf32>,
    %swap3A_25 = arith.constant 32 : index
    %swap3A_26 = tpu.vector_load %arg15[%swap3A_25] {strides = array<i32>} : memref<128xf32, #tpu.memory_space<vmem>>, vector<16xf32>,
    tpu.vector_store %arg15[%swap3A_25], %broadcast_in_dim3A_21 {strides = array<i32>} : memref<128xf32, #tpu.memory_space<vmem>>, vector<16xf32>,
    %swap3A_27 = arith.constant 48 : index
    %swap3A_28 = tpu.vector_load %arg15[%swap3A_27] {strides = array<i32>} : memref<128xf32, #tpu.memory_space<vmem>>, vector<16xf32>,
    tpu.vector_store %arg15[%swap3A_27], %broadcast_in_dim3A_21 {strides = array<i32>} : memref<128xf32, #tpu.memory_space<vmem>>, vector<16xf32>,
    %swap3A_29 = arith.constant 64 : index
    %swap3A_30 = tpu.vector_load %arg15[%swap3A_29] {strides = array<i32>} : memref<128xf32, #tpu.memory_space<vmem>>, vector<16xf32>,
    tpu.vector_store %arg15[%swap3A_29], %broadcast_in_dim3A_21 {strides = array<i32>} : memref<128xf32, #tpu.memory_space<vmem>>, vector<16xf32>,
    %swap3A_31 = arith.constant 80 : index
    %swap3A_32 = tpu.vector_load %arg15[%swap3A_31] {strides = array<i32>} : memref<128xf32, #tpu.memory_space<vmem>>, vector<16xf32>,
    tpu.vector_store %arg15[%swap3A_31], %broadcast_in_dim3A_21 {strides = array<i32>} : memref<128xf32, #tpu.memory_space<vmem>>, vector<16xf32>,
    %swap3A_33 = arith.constant 96 : index
    %swap3A_34 = tpu.vector_load %arg15[%swap3A_33] {strides = array<i32>} : memref<128xf32, #tpu.memory_space<vmem>>, vector<16xf32>,
    tpu.vector_store %arg15[%swap3A_33], %broadcast_in_dim3A_21 {strides = array<i32>} : memref<128xf32, #tpu.memory_space<vmem>>, vector<16xf32>,
    %swap3A_35 = arith.constant 112 : index
    %swap3A_36 = tpu.vector_load %arg15[%swap3A_35] {strides = array<i32>} : memref<128xf32, #tpu.memory_space<vmem>>, vector<16xf32>,
    tpu.vector_store %arg15[%swap3A_35], %broadcast_in_dim3A_21 {strides = array<i32>} : memref<128xf32, #tpu.memory_space<vmem>>, vector<16xf32>,
    %scan3A = arith.constant 0 : i32
    %scan3A_37 = arith.constant 0 : i32
    %scan3A_38 = arith.constant 56 : i32
    %scan3A_39 = arith.addi %scan3A_37, %scan3A_38 : i32
    %scan3A_40 = arith.constant 1 : i32
    scf.for %scan3A_71 = %scan3A_37 to %scan3A_39 step %scan3A_40  : i32 {
      %get3A_72 = arith.index_cast %scan3A_71 : i32 to index
      %get3A_73 = arith.constant 0 : index
      %get3A_74 = tpu.vector_load %arg10[%get3A_72, %get3A_73] {strides = array<i32>} : memref<56x128xi32, #tpu.memory_space<vmem>>, vector<16xi32>,
      %get3A_75 = arith.index_cast %scan3A_71 : i32 to index
      %get3A_76 = arith.constant 0 : index
      %get3A_77 = tpu.vector_load %arg11[%get3A_75, %get3A_76] {strides = array<i32>} : memref<56x128xi32, #tpu.memory_space<vmem>>, vector<16xi32>,
      %gather3A = tpu.vector_load_idx %arg18[%get3A_74] : memref<10240xi32, #tpu.memory_space<vmem>>[vector<16xi32>], vector<16xi32>,
      %mul3A_78 = arith.constant 16 : i32
      %mul3A_79 = vector.broadcast %mul3A_78 : i32 to vector<16xi32>
      %mul3A_80 = arith.muli %get3A_77, %mul3A_79 : vector<16xi32>
      %add3A = arith.addi %mul3A_80, %gather3A : vector<16xi32>
      %swap3A_81 = arith.constant 0 : index
      %swap3A_82 = tpu.vector_load %arg12[%swap3A_81] {strides = array<i32>} : memref<128xi32, #tpu.memory_space<vmem>>, vector<16xi32>,
      tpu.vector_store %arg12[%swap3A_81], %add3A {strides = array<i32>} : memref<128xi32, #tpu.memory_space<vmem>>, vector<16xi32>,
      %swap3A_83 = arith.constant 0 : index
      %swap3A_84 = tpu.vector_load %arg13[%swap3A_83] {strides = array<i32>} : memref<128xi32, #tpu.memory_space<vmem>>, vector<16xi32>,
      tpu.vector_store %arg13[%swap3A_83], %get3A_77 {strides = array<i32>} : memref<128xi32, #tpu.memory_space<vmem>>, vector<16xi32>,
      %get3A_85 = arith.index_cast %scan3A_71 : i32 to index
      %get3A_86 = arith.constant 16 : index
      %get3A_87 = tpu.vector_load %arg10[%get3A_85, %get3A_86] {strides = array<i32>} : memref<56x128xi32, #tpu.memory_space<vmem>>, vector<16xi32>,
      %get3A_88 = arith.index_cast %scan3A_71 : i32 to index
      %get3A_89 = arith.constant 16 : index
      %get3A_90 = tpu.vector_load %arg11[%get3A_88, %get3A_89] {strides = array<i32>} : memref<56x128xi32, #tpu.memory_space<vmem>>, vector<16xi32>,
      %gather3A_91 = tpu.vector_load_idx %arg18[%get3A_87] : memref<10240xi32, #tpu.memory_space<vmem>>[vector<16xi32>], vector<16xi32>,
      %mul3A_92 = arith.constant 16 : i32
      %mul3A_93 = vector.broadcast %mul3A_92 : i32 to vector<16xi32>
      %mul3A_94 = arith.muli %get3A_90, %mul3A_93 : vector<16xi32>
      %add3A_95 = arith.addi %mul3A_94, %gather3A_91 : vector<16xi32>
      %swap3A_96 = arith.constant 16 : index
      %swap3A_97 = tpu.vector_load %arg12[%swap3A_96] {strides = array<i32>} : memref<128xi32, #tpu.memory_space<vmem>>, vector<16xi32>,
      tpu.vector_store %arg12[%swap3A_96], %add3A_95 {strides = array<i32>} : memref<128xi32, #tpu.memory_space<vmem>>, vector<16xi32>,
      %swap3A_98 = arith.constant 16 : index
      %swap3A_99 = tpu.vector_load %arg13[%swap3A_98] {strides = array<i32>} : memref<128xi32, #tpu.memory_space<vmem>>, vector<16xi32>,
      tpu.vector_store %arg13[%swap3A_98], %get3A_90 {strides = array<i32>} : memref<128xi32, #tpu.memory_space<vmem>>, vector<16xi32>,
      %get3A_100 = arith.index_cast %scan3A_71 : i32 to index
      %get3A_101 = arith.constant 32 : index
      %get3A_102 = tpu.vector_load %arg10[%get3A_100, %get3A_101] {strides = array<i32>} : memref<56x128xi32, #tpu.memory_space<vmem>>, vector<16xi32>,
      %get3A_103 = arith.index_cast %scan3A_71 : i32 to index
      %get3A_104 = arith.constant 32 : index
      %get3A_105 = tpu.vector_load %arg11[%get3A_103, %get3A_104] {strides = array<i32>} : memref<56x128xi32, #tpu.memory_space<vmem>>, vector<16xi32>,
      %gather3A_106 = tpu.vector_load_idx %arg18[%get3A_102] : memref<10240xi32, #tpu.memory_space<vmem>>[vector<16xi32>], vector<16xi32>,
      %mul3A_107 = arith.constant 16 : i32
      %mul3A_108 = vector.broadcast %mul3A_107 : i32 to vector<16xi32>
      %mul3A_109 = arith.muli %get3A_105, %mul3A_108 : vector<16xi32>
      %add3A_110 = arith.addi %mul3A_109, %gather3A_106 : vector<16xi32>
      %swap3A_111 = arith.constant 32 : index
      %swap3A_112 = tpu.vector_load %arg12[%swap3A_111] {strides = array<i32>} : memref<128xi32, #tpu.memory_space<vmem>>, vector<16xi32>,
      tpu.vector_store %arg12[%swap3A_111], %add3A_110 {strides = array<i32>} : memref<128xi32, #tpu.memory_space<vmem>>, vector<16xi32>,
      %swap3A_113 = arith.constant 32 : index
      %swap3A_114 = tpu.vector_load %arg13[%swap3A_113] {strides = array<i32>} : memref<128xi32, #tpu.memory_space<vmem>>, vector<16xi32>,
      tpu.vector_store %arg13[%swap3A_113], %get3A_105 {strides = array<i32>} : memref<128xi32, #tpu.memory_space<vmem>>, vector<16xi32>,
      %get3A_115 = arith.index_cast %scan3A_71 : i32 to index
      %get3A_116 = arith.constant 48 : index
      %get3A_117 = tpu.vector_load %arg10[%get3A_115, %get3A_116] {strides = array<i32>} : memref<56x128xi32, #tpu.memory_space<vmem>>, vector<16xi32>,
      %get3A_118 = arith.index_cast %scan3A_71 : i32 to index
      %get3A_119 = arith.constant 48 : index
      %get3A_120 = tpu.vector_load %arg11[%get3A_118, %get3A_119] {strides = array<i32>} : memref<56x128xi32, #tpu.memory_space<vmem>>, vector<16xi32>,
      %gather3A_121 = tpu.vector_load_idx %arg18[%get3A_117] : memref<10240xi32, #tpu.memory_space<vmem>>[vector<16xi32>], vector<16xi32>,
      %mul3A_122 = arith.constant 16 : i32
      %mul3A_123 = vector.broadcast %mul3A_122 : i32 to vector<16xi32>
      %mul3A_124 = arith.muli %get3A_120, %mul3A_123 : vector<16xi32>
      %add3A_125 = arith.addi %mul3A_124, %gather3A_121 : vector<16xi32>
      %swap3A_126 = arith.constant 48 : index
      %swap3A_127 = tpu.vector_load %arg12[%swap3A_126] {strides = array<i32>} : memref<128xi32, #tpu.memory_space<vmem>>, vector<16xi32>,
      tpu.vector_store %arg12[%swap3A_126], %add3A_125 {strides = array<i32>} : memref<128xi32, #tpu.memory_space<vmem>>, vector<16xi32>,
      %swap3A_128 = arith.constant 48 : index
      %swap3A_129 = tpu.vector_load %arg13[%swap3A_128] {strides = array<i32>} : memref<128xi32, #tpu.memory_space<vmem>>, vector<16xi32>,
      tpu.vector_store %arg13[%swap3A_128], %get3A_120 {strides = array<i32>} : memref<128xi32, #tpu.memory_space<vmem>>, vector<16xi32>,
      %get3A_130 = arith.index_cast %scan3A_71 : i32 to index
      %get3A_131 = arith.constant 64 : index
      %get3A_132 = tpu.vector_load %arg10[%get3A_130, %get3A_131] {strides = array<i32>} : memref<56x128xi32, #tpu.memory_space<vmem>>, vector<16xi32>,
      %get3A_133 = arith.index_cast %scan3A_71 : i32 to index
      %get3A_134 = arith.constant 64 : index
      %get3A_135 = tpu.vector_load %arg11[%get3A_133, %get3A_134] {strides = array<i32>} : memref<56x128xi32, #tpu.memory_space<vmem>>, vector<16xi32>,
      %gather3A_136 = tpu.vector_load_idx %arg18[%get3A_132] : memref<10240xi32, #tpu.memory_space<vmem>>[vector<16xi32>], vector<16xi32>,
      %mul3A_137 = arith.constant 16 : i32
      %mul3A_138 = vector.broadcast %mul3A_137 : i32 to vector<16xi32>
      %mul3A_139 = arith.muli %get3A_135, %mul3A_138 : vector<16xi32>
      %add3A_140 = arith.addi %mul3A_139, %gather3A_136 : vector<16xi32>
      %swap3A_141 = arith.constant 64 : index
      %swap3A_142 = tpu.vector_load %arg12[%swap3A_141] {strides = array<i32>} : memref<128xi32, #tpu.memory_space<vmem>>, vector<16xi32>,
      tpu.vector_store %arg12[%swap3A_141], %add3A_140 {strides = array<i32>} : memref<128xi32, #tpu.memory_space<vmem>>, vector<16xi32>,
      %swap3A_143 = arith.constant 64 : index
      %swap3A_144 = tpu.vector_load %arg13[%swap3A_143] {strides = array<i32>} : memref<128xi32, #tpu.memory_space<vmem>>, vector<16xi32>,
      tpu.vector_store %arg13[%swap3A_143], %get3A_135 {strides = array<i32>} : memref<128xi32, #tpu.memory_space<vmem>>, vector<16xi32>,
      %get3A_145 = arith.index_cast %scan3A_71 : i32 to index
      %get3A_146 = arith.constant 80 : index
      %get3A_147 = tpu.vector_load %arg10[%get3A_145, %get3A_146] {strides = array<i32>} : memref<56x128xi32, #tpu.memory_space<vmem>>, vector<16xi32>,
      %get3A_148 = arith.index_cast %scan3A_71 : i32 to index
      %get3A_149 = arith.constant 80 : index
      %get3A_150 = tpu.vector_load %arg11[%get3A_148, %get3A_149] {strides = array<i32>} : memref<56x128xi32, #tpu.memory_space<vmem>>, vector<16xi32>,
      %gather3A_151 = tpu.vector_load_idx %arg18[%get3A_147] : memref<10240xi32, #tpu.memory_space<vmem>>[vector<16xi32>], vector<16xi32>,
      %mul3A_152 = arith.constant 16 : i32
      %mul3A_153 = vector.broadcast %mul3A_152 : i32 to vector<16xi32>
      %mul3A_154 = arith.muli %get3A_150, %mul3A_153 : vector<16xi32>
      %add3A_155 = arith.addi %mul3A_154, %gather3A_151 : vector<16xi32>
      %swap3A_156 = arith.constant 80 : index
      %swap3A_157 = tpu.vector_load %arg12[%swap3A_156] {strides = array<i32>} : memref<128xi32, #tpu.memory_space<vmem>>, vector<16xi32>,
      tpu.vector_store %arg12[%swap3A_156], %add3A_155 {strides = array<i32>} : memref<128xi32, #tpu.memory_space<vmem>>, vector<16xi32>,
      %swap3A_158 = arith.constant 80 : index
      %swap3A_159 = tpu.vector_load %arg13[%swap3A_158] {strides = array<i32>} : memref<128xi32, #tpu.memory_space<vmem>>, vector<16xi32>,
      tpu.vector_store %arg13[%swap3A_158], %get3A_150 {strides = array<i32>} : memref<128xi32, #tpu.memory_space<vmem>>, vector<16xi32>,
      %get3A_160 = arith.index_cast %scan3A_71 : i32 to index
      %get3A_161 = arith.constant 96 : index
      %get3A_162 = tpu.vector_load %arg10[%get3A_160, %get3A_161] {strides = array<i32>} : memref<56x128xi32, #tpu.memory_space<vmem>>, vector<16xi32>,
      %get3A_163 = arith.index_cast %scan3A_71 : i32 to index
      %get3A_164 = arith.constant 96 : index
      %get3A_165 = tpu.vector_load %arg11[%get3A_163, %get3A_164] {strides = array<i32>} : memref<56x128xi32, #tpu.memory_space<vmem>>, vector<16xi32>,
      %gather3A_166 = tpu.vector_load_idx %arg18[%get3A_162] : memref<10240xi32, #tpu.memory_space<vmem>>[vector<16xi32>], vector<16xi32>,
      %mul3A_167 = arith.constant 16 : i32
      %mul3A_168 = vector.broadcast %mul3A_167 : i32 to vector<16xi32>
      %mul3A_169 = arith.muli %get3A_165, %mul3A_168 : vector<16xi32>
      %add3A_170 = arith.addi %mul3A_169, %gather3A_166 : vector<16xi32>
      %swap3A_171 = arith.constant 96 : index
      %swap3A_172 = tpu.vector_load %arg12[%swap3A_171] {strides = array<i32>} : memref<128xi32, #tpu.memory_space<vmem>>, vector<16xi32>,
      tpu.vector_store %arg12[%swap3A_171], %add3A_170 {strides = array<i32>} : memref<128xi32, #tpu.memory_space<vmem>>, vector<16xi32>,
      %swap3A_173 = arith.constant 96 : index
      %swap3A_174 = tpu.vector_load %arg13[%swap3A_173] {strides = array<i32>} : memref<128xi32, #tpu.memory_space<vmem>>, vector<16xi32>,
      tpu.vector_store %arg13[%swap3A_173], %get3A_165 {strides = array<i32>} : memref<128xi32, #tpu.memory_space<vmem>>, vector<16xi32>,
      %get3A_175 = arith.index_cast %scan3A_71 : i32 to index
      %get3A_176 = arith.constant 112 : index
      %get3A_177 = tpu.vector_load %arg10[%get3A_175, %get3A_176] {strides = array<i32>} : memref<56x128xi32, #tpu.memory_space<vmem>>, vector<16xi32>,
      %get3A_178 = arith.index_cast %scan3A_71 : i32 to index
      %get3A_179 = arith.constant 112 : index
      %get3A_180 = tpu.vector_load %arg11[%get3A_178, %get3A_179] {strides = array<i32>} : memref<56x128xi32, #tpu.memory_space<vmem>>, vector<16xi32>,
      %gather3A_181 = tpu.vector_load_idx %arg18[%get3A_177] : memref<10240xi32, #tpu.memory_space<vmem>>[vector<16xi32>], vector<16xi32>,
      %mul3A_182 = arith.constant 16 : i32
      %mul3A_183 = vector.broadcast %mul3A_182 : i32 to vector<16xi32>
      %mul3A_184 = arith.muli %get3A_180, %mul3A_183 : vector<16xi32>
      %add3A_185 = arith.addi %mul3A_184, %gather3A_181 : vector<16xi32>
      %swap3A_186 = arith.constant 112 : index
      %swap3A_187 = tpu.vector_load %arg12[%swap3A_186] {strides = array<i32>} : memref<128xi32, #tpu.memory_space<vmem>>, vector<16xi32>,
      tpu.vector_store %arg12[%swap3A_186], %add3A_185 {strides = array<i32>} : memref<128xi32, #tpu.memory_space<vmem>>, vector<16xi32>,
      %swap3A_188 = arith.constant 112 : index
      %swap3A_189 = tpu.vector_load %arg13[%swap3A_188] {strides = array<i32>} : memref<128xi32, #tpu.memory_space<vmem>>, vector<16xi32>,
      tpu.vector_store %arg13[%swap3A_188], %get3A_180 {strides = array<i32>} : memref<128xi32, #tpu.memory_space<vmem>>, vector<16xi32>,
      "tpu.region"() ({
        %run_scoped3A_190 = tpu.sem_alloc : memref<!tpu.dma_semaphore, #tpu.memory_space<semaphore_mem>>
        %dma_start3A = arith.constant 0 : i32
        %dma_start3A_191 = tpu.memref_slice %arg21[%dma_start3A] : memref<163840xf32, #tpu.memory_space<vmem_shared>> -> memref<163840xf32, #tpu.memory_space<vmem_shared>>
        tpu.enqueue_indirect_dma source(%arg15 : memref<128xf32, #tpu.memory_space<vmem>>) target(%dma_start3A_191 : memref<163840xf32, #tpu.memory_space<vmem_shared>>) offsets(%arg12 : memref<128xi32, #tpu.memory_space<vmem>>) semaphore(%run_scoped3A_190 : memref<!tpu.dma_semaphore, #tpu.memory_space<semaphore_mem>>) {add = true}
        %dma_wait3A = arith.constant 0 : i32
        %dma_wait3A_192 = tpu.memref_slice %arg21[%dma_wait3A] : memref<163840xf32, #tpu.memory_space<vmem_shared>> -> memref<163840xf32, #tpu.memory_space<vmem_shared>>
        tpu.wait_indirect_dma semaphore(%run_scoped3A_190 : memref<!tpu.dma_semaphore, #tpu.memory_space<semaphore_mem>>) src(%arg15 : memref<128xf32, #tpu.memory_space<vmem>>) dst(%dma_wait3A_192 : memref<163840xf32, #tpu.memory_space<vmem_shared>>)
        tpu.yield
      }) : () -> ()
      "tpu.region"() ({
        %run_scoped3A_190 = tpu.sem_alloc : memref<!tpu.dma_semaphore, #tpu.memory_space<semaphore_mem>>
        %dma_start3A = arith.constant 0 : i32
        %dma_start3A_191 = tpu.memref_slice %arg22[%dma_start3A] : memref<10240xf32, #tpu.memory_space<vmem_shared>> -> memref<10240xf32, #tpu.memory_space<vmem_shared>>
        tpu.enqueue_indirect_dma source(%arg15 : memref<128xf32, #tpu.memory_space<vmem>>) target(%dma_start3A_191 : memref<10240xf32, #tpu.memory_space<vmem_shared>>) offsets(%arg13 : memref<128xi32, #tpu.memory_space<vmem>>) semaphore(%run_scoped3A_190 : memref<!tpu.dma_semaphore, #tpu.memory_space<semaphore_mem>>) {add = true}
        %dma_wait3A = arith.constant 0 : i32
        %dma_wait3A_192 = tpu.memref_slice %arg22[%dma_wait3A] : memref<10240xf32, #tpu.memory_space<vmem_shared>> -> memref<10240xf32, #tpu.memory_space<vmem_shared>>
        tpu.wait_indirect_dma semaphore(%run_scoped3A_190 : memref<!tpu.dma_semaphore, #tpu.memory_space<semaphore_mem>>) src(%arg15 : memref<128xf32, #tpu.memory_space<vmem>>) dst(%dma_wait3A_192 : memref<10240xf32, #tpu.memory_space<vmem_shared>>)
        tpu.yield
      }) : () -> ()
    }
    %scan3A_41 = arith.constant 56 : i32
    %barrier3A_42 = arith.constant 0 : index
    tpu.barrier barrier_id(%barrier3A_42)
    "tpu.region"() ({
      %run_scoped3A_71 = tpu.sem_alloc : memref<!tpu.dma_semaphore, #tpu.memory_space<semaphore_mem>>
      tpu.enqueue_dma source(%arg22 : memref<10240xf32, #tpu.memory_space<vmem_shared>>) target(%arg19 : memref<10240xf32, #tpu.memory_space<vmem>>) target_semaphore(%run_scoped3A_71 : memref<!tpu.dma_semaphore, #tpu.memory_space<semaphore_mem>>)
      tpu.wait_dma2 semaphore(%run_scoped3A_71 : memref<!tpu.dma_semaphore, #tpu.memory_space<semaphore_mem>>) src(%arg22 : memref<10240xf32, #tpu.memory_space<vmem_shared>>) dst(%arg19 : memref<10240xf32, #tpu.memory_space<vmem>>)
      tpu.yield
    }) : () -> ()
    %get3A = arith.constant 0 : index
    %get3A_43 = tpu.vector_load %arg20[%get3A] {strides = array<i32>} : memref<16xi32, #tpu.memory_space<vmem>>, vector<16xi32>,
    %scan3A_44 = arith.constant 0 : i32
    %scan3A_45 = arith.constant 0 : i32
    %scan3A_46 = arith.constant 56 : i32
    %scan3A_47 = arith.addi %scan3A_45, %scan3A_46 : i32
    %scan3A_48 = arith.constant 1 : i32
    scf.for %scan3A_71 = %scan3A_45 to %scan3A_47 step %scan3A_48  : i32 {
      %get3A_72 = arith.index_cast %scan3A_71 : i32 to index
      %get3A_73 = arith.constant 0 : index
      %get3A_74 = tpu.vector_load %arg10[%get3A_72, %get3A_73] {strides = array<i32>} : memref<56x128xi32, #tpu.memory_space<vmem>>, vector<16xi32>,
      %get3A_75 = arith.index_cast %scan3A_71 : i32 to index
      %get3A_76 = arith.constant 0 : index
      %get3A_77 = tpu.vector_load %arg11[%get3A_75, %get3A_76] {strides = array<i32>} : memref<56x128xi32, #tpu.memory_space<vmem>>, vector<16xi32>,
      %gather3A = tpu.vector_load_idx %arg19[%get3A_77] : memref<10240xf32, #tpu.memory_space<vmem>>[vector<16xi32>], vector<16xf32>,
      %max3A = arith.constant 1.000000e+00 : f32
      %max3A_78 = vector.broadcast %max3A : f32 to vector<16xf32>
      %max3A_79 = arith.maximumf %gather3A, %max3A_78 : vector<16xf32>
      %div3A = arith.constant 1.000000e+00 : f32
      %div3A_80 = vector.broadcast %div3A : f32 to vector<16xf32>
      %div3A_81 = arith.divf %div3A_80, %max3A_79 : vector<16xf32>
      %mul3A_82 = arith.mulf %max3A_79, %div3A_81 : vector<16xf32>
      %sub3A = arith.constant 2.000000e+00 : f32
      %sub3A_83 = vector.broadcast %sub3A : f32 to vector<16xf32>
      %sub3A_84 = arith.subf %sub3A_83, %mul3A_82 : vector<16xf32>
      %mul3A_85 = arith.mulf %div3A_81, %sub3A_84 : vector<16xf32>
      %mul3A_86 = arith.mulf %max3A_79, %mul3A_85 : vector<16xf32>
      %sub3A_87 = arith.constant 2.000000e+00 : f32
      %sub3A_88 = vector.broadcast %sub3A_87 : f32 to vector<16xf32>
      %sub3A_89 = arith.subf %sub3A_88, %mul3A_86 : vector<16xf32>
      %mul3A_90 = arith.mulf %mul3A_85, %sub3A_89 : vector<16xf32>
      %swap3A_91 = arith.constant 0 : index
      %swap3A_92 = tpu.vector_load %arg16[%swap3A_91] {strides = array<i32>} : memref<128xf32, #tpu.memory_space<vmem>>, vector<16xf32>,
      tpu.vector_store %arg16[%swap3A_91], %mul3A_90 {strides = array<i32>} : memref<128xf32, #tpu.memory_space<vmem>>, vector<16xf32>,
      %eq3A = arith.cmpi eq, %get3A_77, %get3A_43 : vector<16xi32>
      %broadcast_in_dim3A_93 = arith.constant 0.000000e+00 : f32
      %broadcast_in_dim3A_94 = vector.broadcast %broadcast_in_dim3A_93 : f32 to vector<16xf32>
      %select_n3A = arith.select %eq3A, %broadcast_in_dim3A_21, %broadcast_in_dim3A_94 : vector<16xi1>, vector<16xf32>
      %swap3A_95 = arith.constant 0 : index
      %swap3A_96 = tpu.vector_load %arg17[%swap3A_95] {strides = array<i32>} : memref<128xf32, #tpu.memory_space<vmem>>, vector<16xf32>,
      tpu.vector_store %arg17[%swap3A_95], %select_n3A {strides = array<i32>} : memref<128xf32, #tpu.memory_space<vmem>>, vector<16xf32>,
      %swap3A_97 = arith.constant 0 : index
      %swap3A_98 = tpu.vector_load %arg14[%swap3A_97] {strides = array<i32>} : memref<128xi32, #tpu.memory_space<vmem>>, vector<16xi32>,
      tpu.vector_store %arg14[%swap3A_97], %get3A_74 {strides = array<i32>} : memref<128xi32, #tpu.memory_space<vmem>>, vector<16xi32>,
      %get3A_99 = arith.index_cast %scan3A_71 : i32 to index
      %get3A_100 = arith.constant 16 : index
      %get3A_101 = tpu.vector_load %arg10[%get3A_99, %get3A_100] {strides = array<i32>} : memref<56x128xi32, #tpu.memory_space<vmem>>, vector<16xi32>,
      %get3A_102 = arith.index_cast %scan3A_71 : i32 to index
      %get3A_103 = arith.constant 16 : index
      %get3A_104 = tpu.vector_load %arg11[%get3A_102, %get3A_103] {strides = array<i32>} : memref<56x128xi32, #tpu.memory_space<vmem>>, vector<16xi32>,
      %gather3A_105 = tpu.vector_load_idx %arg19[%get3A_104] : memref<10240xf32, #tpu.memory_space<vmem>>[vector<16xi32>], vector<16xf32>,
      %max3A_106 = arith.constant 1.000000e+00 : f32
      %max3A_107 = vector.broadcast %max3A_106 : f32 to vector<16xf32>
      %max3A_108 = arith.maximumf %gather3A_105, %max3A_107 : vector<16xf32>
      %div3A_109 = arith.constant 1.000000e+00 : f32
      %div3A_110 = vector.broadcast %div3A_109 : f32 to vector<16xf32>
      %div3A_111 = arith.divf %div3A_110, %max3A_108 : vector<16xf32>
      %mul3A_112 = arith.mulf %max3A_108, %div3A_111 : vector<16xf32>
      %sub3A_113 = arith.constant 2.000000e+00 : f32
      %sub3A_114 = vector.broadcast %sub3A_113 : f32 to vector<16xf32>
      %sub3A_115 = arith.subf %sub3A_114, %mul3A_112 : vector<16xf32>
      %mul3A_116 = arith.mulf %div3A_111, %sub3A_115 : vector<16xf32>
      %mul3A_117 = arith.mulf %max3A_108, %mul3A_116 : vector<16xf32>
      %sub3A_118 = arith.constant 2.000000e+00 : f32
      %sub3A_119 = vector.broadcast %sub3A_118 : f32 to vector<16xf32>
      %sub3A_120 = arith.subf %sub3A_119, %mul3A_117 : vector<16xf32>
      %mul3A_121 = arith.mulf %mul3A_116, %sub3A_120 : vector<16xf32>
      %swap3A_122 = arith.constant 16 : index
      %swap3A_123 = tpu.vector_load %arg16[%swap3A_122] {strides = array<i32>} : memref<128xf32, #tpu.memory_space<vmem>>, vector<16xf32>,
      tpu.vector_store %arg16[%swap3A_122], %mul3A_121 {strides = array<i32>} : memref<128xf32, #tpu.memory_space<vmem>>, vector<16xf32>,
      %eq3A_124 = arith.cmpi eq, %get3A_104, %get3A_43 : vector<16xi32>
      %broadcast_in_dim3A_125 = arith.constant 0.000000e+00 : f32
      %broadcast_in_dim3A_126 = vector.broadcast %broadcast_in_dim3A_125 : f32 to vector<16xf32>
      %select_n3A_127 = arith.select %eq3A_124, %broadcast_in_dim3A_21, %broadcast_in_dim3A_126 : vector<16xi1>, vector<16xf32>
      %swap3A_128 = arith.constant 16 : index
      %swap3A_129 = tpu.vector_load %arg17[%swap3A_128] {strides = array<i32>} : memref<128xf32, #tpu.memory_space<vmem>>, vector<16xf32>,
      tpu.vector_store %arg17[%swap3A_128], %select_n3A_127 {strides = array<i32>} : memref<128xf32, #tpu.memory_space<vmem>>, vector<16xf32>,
      %swap3A_130 = arith.constant 16 : index
      %swap3A_131 = tpu.vector_load %arg14[%swap3A_130] {strides = array<i32>} : memref<128xi32, #tpu.memory_space<vmem>>, vector<16xi32>,
      tpu.vector_store %arg14[%swap3A_130], %get3A_101 {strides = array<i32>} : memref<128xi32, #tpu.memory_space<vmem>>, vector<16xi32>,
      %get3A_132 = arith.index_cast %scan3A_71 : i32 to index
      %get3A_133 = arith.constant 32 : index
      %get3A_134 = tpu.vector_load %arg10[%get3A_132, %get3A_133] {strides = array<i32>} : memref<56x128xi32, #tpu.memory_space<vmem>>, vector<16xi32>,
      %get3A_135 = arith.index_cast %scan3A_71 : i32 to index
      %get3A_136 = arith.constant 32 : index
      %get3A_137 = tpu.vector_load %arg11[%get3A_135, %get3A_136] {strides = array<i32>} : memref<56x128xi32, #tpu.memory_space<vmem>>, vector<16xi32>,
      %gather3A_138 = tpu.vector_load_idx %arg19[%get3A_137] : memref<10240xf32, #tpu.memory_space<vmem>>[vector<16xi32>], vector<16xf32>,
      %max3A_139 = arith.constant 1.000000e+00 : f32
      %max3A_140 = vector.broadcast %max3A_139 : f32 to vector<16xf32>
      %max3A_141 = arith.maximumf %gather3A_138, %max3A_140 : vector<16xf32>
      %div3A_142 = arith.constant 1.000000e+00 : f32
      %div3A_143 = vector.broadcast %div3A_142 : f32 to vector<16xf32>
      %div3A_144 = arith.divf %div3A_143, %max3A_141 : vector<16xf32>
      %mul3A_145 = arith.mulf %max3A_141, %div3A_144 : vector<16xf32>
      %sub3A_146 = arith.constant 2.000000e+00 : f32
      %sub3A_147 = vector.broadcast %sub3A_146 : f32 to vector<16xf32>
      %sub3A_148 = arith.subf %sub3A_147, %mul3A_145 : vector<16xf32>
      %mul3A_149 = arith.mulf %div3A_144, %sub3A_148 : vector<16xf32>
      %mul3A_150 = arith.mulf %max3A_141, %mul3A_149 : vector<16xf32>
      %sub3A_151 = arith.constant 2.000000e+00 : f32
      %sub3A_152 = vector.broadcast %sub3A_151 : f32 to vector<16xf32>
      %sub3A_153 = arith.subf %sub3A_152, %mul3A_150 : vector<16xf32>
      %mul3A_154 = arith.mulf %mul3A_149, %sub3A_153 : vector<16xf32>
      %swap3A_155 = arith.constant 32 : index
      %swap3A_156 = tpu.vector_load %arg16[%swap3A_155] {strides = array<i32>} : memref<128xf32, #tpu.memory_space<vmem>>, vector<16xf32>,
      tpu.vector_store %arg16[%swap3A_155], %mul3A_154 {strides = array<i32>} : memref<128xf32, #tpu.memory_space<vmem>>, vector<16xf32>,
      %eq3A_157 = arith.cmpi eq, %get3A_137, %get3A_43 : vector<16xi32>
      %broadcast_in_dim3A_158 = arith.constant 0.000000e+00 : f32
      %broadcast_in_dim3A_159 = vector.broadcast %broadcast_in_dim3A_158 : f32 to vector<16xf32>
      %select_n3A_160 = arith.select %eq3A_157, %broadcast_in_dim3A_21, %broadcast_in_dim3A_159 : vector<16xi1>, vector<16xf32>
      %swap3A_161 = arith.constant 32 : index
      %swap3A_162 = tpu.vector_load %arg17[%swap3A_161] {strides = array<i32>} : memref<128xf32, #tpu.memory_space<vmem>>, vector<16xf32>,
      tpu.vector_store %arg17[%swap3A_161], %select_n3A_160 {strides = array<i32>} : memref<128xf32, #tpu.memory_space<vmem>>, vector<16xf32>,
      %swap3A_163 = arith.constant 32 : index
      %swap3A_164 = tpu.vector_load %arg14[%swap3A_163] {strides = array<i32>} : memref<128xi32, #tpu.memory_space<vmem>>, vector<16xi32>,
      tpu.vector_store %arg14[%swap3A_163], %get3A_134 {strides = array<i32>} : memref<128xi32, #tpu.memory_space<vmem>>, vector<16xi32>,
      %get3A_165 = arith.index_cast %scan3A_71 : i32 to index
      %get3A_166 = arith.constant 48 : index
      %get3A_167 = tpu.vector_load %arg10[%get3A_165, %get3A_166] {strides = array<i32>} : memref<56x128xi32, #tpu.memory_space<vmem>>, vector<16xi32>,
      %get3A_168 = arith.index_cast %scan3A_71 : i32 to index
      %get3A_169 = arith.constant 48 : index
      %get3A_170 = tpu.vector_load %arg11[%get3A_168, %get3A_169] {strides = array<i32>} : memref<56x128xi32, #tpu.memory_space<vmem>>, vector<16xi32>,
      %gather3A_171 = tpu.vector_load_idx %arg19[%get3A_170] : memref<10240xf32, #tpu.memory_space<vmem>>[vector<16xi32>], vector<16xf32>,
      %max3A_172 = arith.constant 1.000000e+00 : f32
      %max3A_173 = vector.broadcast %max3A_172 : f32 to vector<16xf32>
      %max3A_174 = arith.maximumf %gather3A_171, %max3A_173 : vector<16xf32>
      %div3A_175 = arith.constant 1.000000e+00 : f32
      %div3A_176 = vector.broadcast %div3A_175 : f32 to vector<16xf32>
      %div3A_177 = arith.divf %div3A_176, %max3A_174 : vector<16xf32>
      %mul3A_178 = arith.mulf %max3A_174, %div3A_177 : vector<16xf32>
      %sub3A_179 = arith.constant 2.000000e+00 : f32
      %sub3A_180 = vector.broadcast %sub3A_179 : f32 to vector<16xf32>
      %sub3A_181 = arith.subf %sub3A_180, %mul3A_178 : vector<16xf32>
      %mul3A_182 = arith.mulf %div3A_177, %sub3A_181 : vector<16xf32>
      %mul3A_183 = arith.mulf %max3A_174, %mul3A_182 : vector<16xf32>
      %sub3A_184 = arith.constant 2.000000e+00 : f32
      %sub3A_185 = vector.broadcast %sub3A_184 : f32 to vector<16xf32>
      %sub3A_186 = arith.subf %sub3A_185, %mul3A_183 : vector<16xf32>
      %mul3A_187 = arith.mulf %mul3A_182, %sub3A_186 : vector<16xf32>
      %swap3A_188 = arith.constant 48 : index
      %swap3A_189 = tpu.vector_load %arg16[%swap3A_188] {strides = array<i32>} : memref<128xf32, #tpu.memory_space<vmem>>, vector<16xf32>,
      tpu.vector_store %arg16[%swap3A_188], %mul3A_187 {strides = array<i32>} : memref<128xf32, #tpu.memory_space<vmem>>, vector<16xf32>,
      %eq3A_190 = arith.cmpi eq, %get3A_170, %get3A_43 : vector<16xi32>
      %broadcast_in_dim3A_191 = arith.constant 0.000000e+00 : f32
      %broadcast_in_dim3A_192 = vector.broadcast %broadcast_in_dim3A_191 : f32 to vector<16xf32>
      %select_n3A_193 = arith.select %eq3A_190, %broadcast_in_dim3A_21, %broadcast_in_dim3A_192 : vector<16xi1>, vector<16xf32>
      %swap3A_194 = arith.constant 48 : index
      %swap3A_195 = tpu.vector_load %arg17[%swap3A_194] {strides = array<i32>} : memref<128xf32, #tpu.memory_space<vmem>>, vector<16xf32>,
      tpu.vector_store %arg17[%swap3A_194], %select_n3A_193 {strides = array<i32>} : memref<128xf32, #tpu.memory_space<vmem>>, vector<16xf32>,
      %swap3A_196 = arith.constant 48 : index
      %swap3A_197 = tpu.vector_load %arg14[%swap3A_196] {strides = array<i32>} : memref<128xi32, #tpu.memory_space<vmem>>, vector<16xi32>,
      tpu.vector_store %arg14[%swap3A_196], %get3A_167 {strides = array<i32>} : memref<128xi32, #tpu.memory_space<vmem>>, vector<16xi32>,
      %get3A_198 = arith.index_cast %scan3A_71 : i32 to index
      %get3A_199 = arith.constant 64 : index
      %get3A_200 = tpu.vector_load %arg10[%get3A_198, %get3A_199] {strides = array<i32>} : memref<56x128xi32, #tpu.memory_space<vmem>>, vector<16xi32>,
      %get3A_201 = arith.index_cast %scan3A_71 : i32 to index
      %get3A_202 = arith.constant 64 : index
      %get3A_203 = tpu.vector_load %arg11[%get3A_201, %get3A_202] {strides = array<i32>} : memref<56x128xi32, #tpu.memory_space<vmem>>, vector<16xi32>,
      %gather3A_204 = tpu.vector_load_idx %arg19[%get3A_203] : memref<10240xf32, #tpu.memory_space<vmem>>[vector<16xi32>], vector<16xf32>,
      %max3A_205 = arith.constant 1.000000e+00 : f32
      %max3A_206 = vector.broadcast %max3A_205 : f32 to vector<16xf32>
      %max3A_207 = arith.maximumf %gather3A_204, %max3A_206 : vector<16xf32>
      %div3A_208 = arith.constant 1.000000e+00 : f32
      %div3A_209 = vector.broadcast %div3A_208 : f32 to vector<16xf32>
      %div3A_210 = arith.divf %div3A_209, %max3A_207 : vector<16xf32>
      %mul3A_211 = arith.mulf %max3A_207, %div3A_210 : vector<16xf32>
      %sub3A_212 = arith.constant 2.000000e+00 : f32
      %sub3A_213 = vector.broadcast %sub3A_212 : f32 to vector<16xf32>
      %sub3A_214 = arith.subf %sub3A_213, %mul3A_211 : vector<16xf32>
      %mul3A_215 = arith.mulf %div3A_210, %sub3A_214 : vector<16xf32>
      %mul3A_216 = arith.mulf %max3A_207, %mul3A_215 : vector<16xf32>
      %sub3A_217 = arith.constant 2.000000e+00 : f32
      %sub3A_218 = vector.broadcast %sub3A_217 : f32 to vector<16xf32>
      %sub3A_219 = arith.subf %sub3A_218, %mul3A_216 : vector<16xf32>
      %mul3A_220 = arith.mulf %mul3A_215, %sub3A_219 : vector<16xf32>
      %swap3A_221 = arith.constant 64 : index
      %swap3A_222 = tpu.vector_load %arg16[%swap3A_221] {strides = array<i32>} : memref<128xf32, #tpu.memory_space<vmem>>, vector<16xf32>,
      tpu.vector_store %arg16[%swap3A_221], %mul3A_220 {strides = array<i32>} : memref<128xf32, #tpu.memory_space<vmem>>, vector<16xf32>,
      %eq3A_223 = arith.cmpi eq, %get3A_203, %get3A_43 : vector<16xi32>
      %broadcast_in_dim3A_224 = arith.constant 0.000000e+00 : f32
      %broadcast_in_dim3A_225 = vector.broadcast %broadcast_in_dim3A_224 : f32 to vector<16xf32>
      %select_n3A_226 = arith.select %eq3A_223, %broadcast_in_dim3A_21, %broadcast_in_dim3A_225 : vector<16xi1>, vector<16xf32>
      %swap3A_227 = arith.constant 64 : index
      %swap3A_228 = tpu.vector_load %arg17[%swap3A_227] {strides = array<i32>} : memref<128xf32, #tpu.memory_space<vmem>>, vector<16xf32>,
      tpu.vector_store %arg17[%swap3A_227], %select_n3A_226 {strides = array<i32>} : memref<128xf32, #tpu.memory_space<vmem>>, vector<16xf32>,
      %swap3A_229 = arith.constant 64 : index
      %swap3A_230 = tpu.vector_load %arg14[%swap3A_229] {strides = array<i32>} : memref<128xi32, #tpu.memory_space<vmem>>, vector<16xi32>,
      tpu.vector_store %arg14[%swap3A_229], %get3A_200 {strides = array<i32>} : memref<128xi32, #tpu.memory_space<vmem>>, vector<16xi32>,
      %get3A_231 = arith.index_cast %scan3A_71 : i32 to index
      %get3A_232 = arith.constant 80 : index
      %get3A_233 = tpu.vector_load %arg10[%get3A_231, %get3A_232] {strides = array<i32>} : memref<56x128xi32, #tpu.memory_space<vmem>>, vector<16xi32>,
      %get3A_234 = arith.index_cast %scan3A_71 : i32 to index
      %get3A_235 = arith.constant 80 : index
      %get3A_236 = tpu.vector_load %arg11[%get3A_234, %get3A_235] {strides = array<i32>} : memref<56x128xi32, #tpu.memory_space<vmem>>, vector<16xi32>,
      %gather3A_237 = tpu.vector_load_idx %arg19[%get3A_236] : memref<10240xf32, #tpu.memory_space<vmem>>[vector<16xi32>], vector<16xf32>,
      %max3A_238 = arith.constant 1.000000e+00 : f32
      %max3A_239 = vector.broadcast %max3A_238 : f32 to vector<16xf32>
      %max3A_240 = arith.maximumf %gather3A_237, %max3A_239 : vector<16xf32>
      %div3A_241 = arith.constant 1.000000e+00 : f32
      %div3A_242 = vector.broadcast %div3A_241 : f32 to vector<16xf32>
      %div3A_243 = arith.divf %div3A_242, %max3A_240 : vector<16xf32>
      %mul3A_244 = arith.mulf %max3A_240, %div3A_243 : vector<16xf32>
      %sub3A_245 = arith.constant 2.000000e+00 : f32
      %sub3A_246 = vector.broadcast %sub3A_245 : f32 to vector<16xf32>
      %sub3A_247 = arith.subf %sub3A_246, %mul3A_244 : vector<16xf32>
      %mul3A_248 = arith.mulf %div3A_243, %sub3A_247 : vector<16xf32>
      %mul3A_249 = arith.mulf %max3A_240, %mul3A_248 : vector<16xf32>
      %sub3A_250 = arith.constant 2.000000e+00 : f32
      %sub3A_251 = vector.broadcast %sub3A_250 : f32 to vector<16xf32>
      %sub3A_252 = arith.subf %sub3A_251, %mul3A_249 : vector<16xf32>
      %mul3A_253 = arith.mulf %mul3A_248, %sub3A_252 : vector<16xf32>
      %swap3A_254 = arith.constant 80 : index
      %swap3A_255 = tpu.vector_load %arg16[%swap3A_254] {strides = array<i32>} : memref<128xf32, #tpu.memory_space<vmem>>, vector<16xf32>,
      tpu.vector_store %arg16[%swap3A_254], %mul3A_253 {strides = array<i32>} : memref<128xf32, #tpu.memory_space<vmem>>, vector<16xf32>,
      %eq3A_256 = arith.cmpi eq, %get3A_236, %get3A_43 : vector<16xi32>
      %broadcast_in_dim3A_257 = arith.constant 0.000000e+00 : f32
      %broadcast_in_dim3A_258 = vector.broadcast %broadcast_in_dim3A_257 : f32 to vector<16xf32>
      %select_n3A_259 = arith.select %eq3A_256, %broadcast_in_dim3A_21, %broadcast_in_dim3A_258 : vector<16xi1>, vector<16xf32>
      %swap3A_260 = arith.constant 80 : index
      %swap3A_261 = tpu.vector_load %arg17[%swap3A_260] {strides = array<i32>} : memref<128xf32, #tpu.memory_space<vmem>>, vector<16xf32>,
      tpu.vector_store %arg17[%swap3A_260], %select_n3A_259 {strides = array<i32>} : memref<128xf32, #tpu.memory_space<vmem>>, vector<16xf32>,
      %swap3A_262 = arith.constant 80 : index
      %swap3A_263 = tpu.vector_load %arg14[%swap3A_262] {strides = array<i32>} : memref<128xi32, #tpu.memory_space<vmem>>, vector<16xi32>,
      tpu.vector_store %arg14[%swap3A_262], %get3A_233 {strides = array<i32>} : memref<128xi32, #tpu.memory_space<vmem>>, vector<16xi32>,
      %get3A_264 = arith.index_cast %scan3A_71 : i32 to index
      %get3A_265 = arith.constant 96 : index
      %get3A_266 = tpu.vector_load %arg10[%get3A_264, %get3A_265] {strides = array<i32>} : memref<56x128xi32, #tpu.memory_space<vmem>>, vector<16xi32>,
      %get3A_267 = arith.index_cast %scan3A_71 : i32 to index
      %get3A_268 = arith.constant 96 : index
      %get3A_269 = tpu.vector_load %arg11[%get3A_267, %get3A_268] {strides = array<i32>} : memref<56x128xi32, #tpu.memory_space<vmem>>, vector<16xi32>,
      %gather3A_270 = tpu.vector_load_idx %arg19[%get3A_269] : memref<10240xf32, #tpu.memory_space<vmem>>[vector<16xi32>], vector<16xf32>,
      %max3A_271 = arith.constant 1.000000e+00 : f32
      %max3A_272 = vector.broadcast %max3A_271 : f32 to vector<16xf32>
      %max3A_273 = arith.maximumf %gather3A_270, %max3A_272 : vector<16xf32>
      %div3A_274 = arith.constant 1.000000e+00 : f32
      %div3A_275 = vector.broadcast %div3A_274 : f32 to vector<16xf32>
      %div3A_276 = arith.divf %div3A_275, %max3A_273 : vector<16xf32>
      %mul3A_277 = arith.mulf %max3A_273, %div3A_276 : vector<16xf32>
      %sub3A_278 = arith.constant 2.000000e+00 : f32
      %sub3A_279 = vector.broadcast %sub3A_278 : f32 to vector<16xf32>
      %sub3A_280 = arith.subf %sub3A_279, %mul3A_277 : vector<16xf32>
      %mul3A_281 = arith.mulf %div3A_276, %sub3A_280 : vector<16xf32>
      %mul3A_282 = arith.mulf %max3A_273, %mul3A_281 : vector<16xf32>
      %sub3A_283 = arith.constant 2.000000e+00 : f32
      %sub3A_284 = vector.broadcast %sub3A_283 : f32 to vector<16xf32>
      %sub3A_285 = arith.subf %sub3A_284, %mul3A_282 : vector<16xf32>
      %mul3A_286 = arith.mulf %mul3A_281, %sub3A_285 : vector<16xf32>
      %swap3A_287 = arith.constant 96 : index
      %swap3A_288 = tpu.vector_load %arg16[%swap3A_287] {strides = array<i32>} : memref<128xf32, #tpu.memory_space<vmem>>, vector<16xf32>,
      tpu.vector_store %arg16[%swap3A_287], %mul3A_286 {strides = array<i32>} : memref<128xf32, #tpu.memory_space<vmem>>, vector<16xf32>,
      %eq3A_289 = arith.cmpi eq, %get3A_269, %get3A_43 : vector<16xi32>
      %broadcast_in_dim3A_290 = arith.constant 0.000000e+00 : f32
      %broadcast_in_dim3A_291 = vector.broadcast %broadcast_in_dim3A_290 : f32 to vector<16xf32>
      %select_n3A_292 = arith.select %eq3A_289, %broadcast_in_dim3A_21, %broadcast_in_dim3A_291 : vector<16xi1>, vector<16xf32>
      %swap3A_293 = arith.constant 96 : index
      %swap3A_294 = tpu.vector_load %arg17[%swap3A_293] {strides = array<i32>} : memref<128xf32, #tpu.memory_space<vmem>>, vector<16xf32>,
      tpu.vector_store %arg17[%swap3A_293], %select_n3A_292 {strides = array<i32>} : memref<128xf32, #tpu.memory_space<vmem>>, vector<16xf32>,
      %swap3A_295 = arith.constant 96 : index
      %swap3A_296 = tpu.vector_load %arg14[%swap3A_295] {strides = array<i32>} : memref<128xi32, #tpu.memory_space<vmem>>, vector<16xi32>,
      tpu.vector_store %arg14[%swap3A_295], %get3A_266 {strides = array<i32>} : memref<128xi32, #tpu.memory_space<vmem>>, vector<16xi32>,
      %get3A_297 = arith.index_cast %scan3A_71 : i32 to index
      %get3A_298 = arith.constant 112 : index
      %get3A_299 = tpu.vector_load %arg10[%get3A_297, %get3A_298] {strides = array<i32>} : memref<56x128xi32, #tpu.memory_space<vmem>>, vector<16xi32>,
      %get3A_300 = arith.index_cast %scan3A_71 : i32 to index
      %get3A_301 = arith.constant 112 : index
      %get3A_302 = tpu.vector_load %arg11[%get3A_300, %get3A_301] {strides = array<i32>} : memref<56x128xi32, #tpu.memory_space<vmem>>, vector<16xi32>,
      %gather3A_303 = tpu.vector_load_idx %arg19[%get3A_302] : memref<10240xf32, #tpu.memory_space<vmem>>[vector<16xi32>], vector<16xf32>,
      %max3A_304 = arith.constant 1.000000e+00 : f32
      %max3A_305 = vector.broadcast %max3A_304 : f32 to vector<16xf32>
      %max3A_306 = arith.maximumf %gather3A_303, %max3A_305 : vector<16xf32>
      %div3A_307 = arith.constant 1.000000e+00 : f32
      %div3A_308 = vector.broadcast %div3A_307 : f32 to vector<16xf32>
      %div3A_309 = arith.divf %div3A_308, %max3A_306 : vector<16xf32>
      %mul3A_310 = arith.mulf %max3A_306, %div3A_309 : vector<16xf32>
      %sub3A_311 = arith.constant 2.000000e+00 : f32
      %sub3A_312 = vector.broadcast %sub3A_311 : f32 to vector<16xf32>
      %sub3A_313 = arith.subf %sub3A_312, %mul3A_310 : vector<16xf32>
      %mul3A_314 = arith.mulf %div3A_309, %sub3A_313 : vector<16xf32>
      %mul3A_315 = arith.mulf %max3A_306, %mul3A_314 : vector<16xf32>
      %sub3A_316 = arith.constant 2.000000e+00 : f32
      %sub3A_317 = vector.broadcast %sub3A_316 : f32 to vector<16xf32>
      %sub3A_318 = arith.subf %sub3A_317, %mul3A_315 : vector<16xf32>
      %mul3A_319 = arith.mulf %mul3A_314, %sub3A_318 : vector<16xf32>
      %swap3A_320 = arith.constant 112 : index
      %swap3A_321 = tpu.vector_load %arg16[%swap3A_320] {strides = array<i32>} : memref<128xf32, #tpu.memory_space<vmem>>, vector<16xf32>,
      tpu.vector_store %arg16[%swap3A_320], %mul3A_319 {strides = array<i32>} : memref<128xf32, #tpu.memory_space<vmem>>, vector<16xf32>,
      %eq3A_322 = arith.cmpi eq, %get3A_302, %get3A_43 : vector<16xi32>
      %broadcast_in_dim3A_323 = arith.constant 0.000000e+00 : f32
      %broadcast_in_dim3A_324 = vector.broadcast %broadcast_in_dim3A_323 : f32 to vector<16xf32>
      %select_n3A_325 = arith.select %eq3A_322, %broadcast_in_dim3A_21, %broadcast_in_dim3A_324 : vector<16xi1>, vector<16xf32>
      %swap3A_326 = arith.constant 112 : index
      %swap3A_327 = tpu.vector_load %arg17[%swap3A_326] {strides = array<i32>} : memref<128xf32, #tpu.memory_space<vmem>>, vector<16xf32>,
      tpu.vector_store %arg17[%swap3A_326], %select_n3A_325 {strides = array<i32>} : memref<128xf32, #tpu.memory_space<vmem>>, vector<16xf32>,
      %swap3A_328 = arith.constant 112 : index
      %swap3A_329 = tpu.vector_load %arg14[%swap3A_328] {strides = array<i32>} : memref<128xi32, #tpu.memory_space<vmem>>, vector<16xi32>,
      tpu.vector_store %arg14[%swap3A_328], %get3A_299 {strides = array<i32>} : memref<128xi32, #tpu.memory_space<vmem>>, vector<16xi32>,
      "tpu.region"() ({
        %run_scoped3A_330 = tpu.sem_alloc : memref<!tpu.dma_semaphore, #tpu.memory_space<semaphore_mem>>
        %dma_start3A = arith.constant 0 : i32
        %dma_start3A_331 = tpu.memref_slice %arg23[%dma_start3A] : memref<10240xf32, #tpu.memory_space<vmem_shared>> -> memref<10240xf32, #tpu.memory_space<vmem_shared>>
        tpu.enqueue_indirect_dma source(%arg16 : memref<128xf32, #tpu.memory_space<vmem>>) target(%dma_start3A_331 : memref<10240xf32, #tpu.memory_space<vmem_shared>>) offsets(%arg14 : memref<128xi32, #tpu.memory_space<vmem>>) semaphore(%run_scoped3A_330 : memref<!tpu.dma_semaphore, #tpu.memory_space<semaphore_mem>>) {add = true}
        %dma_wait3A = arith.constant 0 : i32
        %dma_wait3A_332 = tpu.memref_slice %arg23[%dma_wait3A] : memref<10240xf32, #tpu.memory_space<vmem_shared>> -> memref<10240xf32, #tpu.memory_space<vmem_shared>>
        tpu.wait_indirect_dma semaphore(%run_scoped3A_330 : memref<!tpu.dma_semaphore, #tpu.memory_space<semaphore_mem>>) src(%arg16 : memref<128xf32, #tpu.memory_space<vmem>>) dst(%dma_wait3A_332 : memref<10240xf32, #tpu.memory_space<vmem_shared>>)
        tpu.yield
      }) : () -> ()
      "tpu.region"() ({
        %run_scoped3A_330 = tpu.sem_alloc : memref<!tpu.dma_semaphore, #tpu.memory_space<semaphore_mem>>
        %dma_start3A = arith.constant 0 : i32
        %dma_start3A_331 = tpu.memref_slice %arg24[%dma_start3A] : memref<10240xf32, #tpu.memory_space<vmem_shared>> -> memref<10240xf32, #tpu.memory_space<vmem_shared>>
        tpu.enqueue_indirect_dma source(%arg17 : memref<128xf32, #tpu.memory_space<vmem>>) target(%dma_start3A_331 : memref<10240xf32, #tpu.memory_space<vmem_shared>>) offsets(%arg14 : memref<128xi32, #tpu.memory_space<vmem>>) semaphore(%run_scoped3A_330 : memref<!tpu.dma_semaphore, #tpu.memory_space<semaphore_mem>>) {add = true}
        %dma_wait3A = arith.constant 0 : i32
        %dma_wait3A_332 = tpu.memref_slice %arg24[%dma_wait3A] : memref<10240xf32, #tpu.memory_space<vmem_shared>> -> memref<10240xf32, #tpu.memory_space<vmem_shared>>
        tpu.wait_indirect_dma semaphore(%run_scoped3A_330 : memref<!tpu.dma_semaphore, #tpu.memory_space<semaphore_mem>>) src(%arg17 : memref<128xf32, #tpu.memory_space<vmem>>) dst(%dma_wait3A_332 : memref<10240xf32, #tpu.memory_space<vmem_shared>>)
        tpu.yield
      }) : () -> ()
    }
    %scan3A_49 = arith.constant 56 : i32
    %barrier3A_50 = arith.constant 0 : index
    tpu.barrier barrier_id(%barrier3A_50)
    %mul3A_51 = arith.constant 10240 : i32
    %mul3A_52 = arith.muli %arg1, %mul3A_51 : i32
    %mul3A_53 = arith.constant 10240 : i32
    %mul3A_54 = arith.muli %arg1, %mul3A_53 : i32
    %run_scoped3A_55 = arith.constant 0 : i32
    "tpu.region"() ({
      %run_scoped3A_71 = tpu.sem_alloc : memref<!tpu.dma_semaphore, #tpu.memory_space<semaphore_mem>>
      %dma_start3A = tpu.memref_slice %arg6[%arg0, %run_scoped3A_55, %mul3A_54] : memref<2x1x163840xf32, #tpu.memory_space<hbm>> -> memref<1x1x10240xf32, #tpu.memory_space<hbm>>
      %dma_start3A_72 = tpu.memref_squeeze %dma_start3A : memref<1x1x10240xf32, #tpu.memory_space<hbm>> -> memref<10240xf32, #tpu.memory_space<hbm>>
      %dma_start3A_73 = tpu.memref_slice %arg21[%mul3A_52] : memref<163840xf32, #tpu.memory_space<vmem_shared>> -> memref<10240xf32, #tpu.memory_space<vmem_shared>>
      tpu.enqueue_dma source(%dma_start3A_73 : memref<10240xf32, #tpu.memory_space<vmem_shared>>) target(%dma_start3A_72 : memref<10240xf32, #tpu.memory_space<hbm>>) target_semaphore(%run_scoped3A_71 : memref<!tpu.dma_semaphore, #tpu.memory_space<semaphore_mem>>)
      %dma_wait3A = tpu.memref_slice %arg6[%arg0, %run_scoped3A_55, %mul3A_54] : memref<2x1x163840xf32, #tpu.memory_space<hbm>> -> memref<1x1x10240xf32, #tpu.memory_space<hbm>>
      %dma_wait3A_74 = tpu.memref_squeeze %dma_wait3A : memref<1x1x10240xf32, #tpu.memory_space<hbm>> -> memref<10240xf32, #tpu.memory_space<hbm>>
      %dma_wait3A_75 = tpu.memref_slice %arg21[%mul3A_52] : memref<163840xf32, #tpu.memory_space<vmem_shared>> -> memref<10240xf32, #tpu.memory_space<vmem_shared>>
      tpu.wait_dma2 semaphore(%run_scoped3A_71 : memref<!tpu.dma_semaphore, #tpu.memory_space<semaphore_mem>>) src(%dma_wait3A_75 : memref<10240xf32, #tpu.memory_space<vmem_shared>>) dst(%dma_wait3A_74 : memref<10240xf32, #tpu.memory_space<hbm>>)
      tpu.yield
    }) : () -> ()
    %mul3A_56 = arith.constant 640 : i32
    %mul3A_57 = arith.muli %arg1, %mul3A_56 : i32
    %mul3A_58 = arith.constant 640 : i32
    %mul3A_59 = arith.muli %arg1, %mul3A_58 : i32
    %run_scoped3A_60 = arith.constant 0 : i32
    "tpu.region"() ({
      %run_scoped3A_71 = tpu.sem_alloc : memref<!tpu.dma_semaphore, #tpu.memory_space<semaphore_mem>>
      %dma_start3A = tpu.memref_slice %arg7[%arg0, %run_scoped3A_60, %mul3A_59] : memref<2x1x10240xf32, #tpu.memory_space<hbm>> -> memref<1x1x640xf32, #tpu.memory_space<hbm>>
      %dma_start3A_72 = tpu.memref_squeeze %dma_start3A : memref<1x1x640xf32, #tpu.memory_space<hbm>> -> memref<640xf32, #tpu.memory_space<hbm>>
      %dma_start3A_73 = tpu.memref_slice %arg22[%mul3A_57] : memref<10240xf32, #tpu.memory_space<vmem_shared>> -> memref<640xf32, #tpu.memory_space<vmem_shared>>
      tpu.enqueue_dma source(%dma_start3A_73 : memref<640xf32, #tpu.memory_space<vmem_shared>>) target(%dma_start3A_72 : memref<640xf32, #tpu.memory_space<hbm>>) target_semaphore(%run_scoped3A_71 : memref<!tpu.dma_semaphore, #tpu.memory_space<semaphore_mem>>)
      %dma_wait3A = tpu.memref_slice %arg7[%arg0, %run_scoped3A_60, %mul3A_59] : memref<2x1x10240xf32, #tpu.memory_space<hbm>> -> memref<1x1x640xf32, #tpu.memory_space<hbm>>
      %dma_wait3A_74 = tpu.memref_squeeze %dma_wait3A : memref<1x1x640xf32, #tpu.memory_space<hbm>> -> memref<640xf32, #tpu.memory_space<hbm>>
      %dma_wait3A_75 = tpu.memref_slice %arg22[%mul3A_57] : memref<10240xf32, #tpu.memory_space<vmem_shared>> -> memref<640xf32, #tpu.memory_space<vmem_shared>>
      tpu.wait_dma2 semaphore(%run_scoped3A_71 : memref<!tpu.dma_semaphore, #tpu.memory_space<semaphore_mem>>) src(%dma_wait3A_75 : memref<640xf32, #tpu.memory_space<vmem_shared>>) dst(%dma_wait3A_74 : memref<640xf32, #tpu.memory_space<hbm>>)
      tpu.yield
    }) : () -> ()
    %mul3A_61 = arith.constant 640 : i32
    %mul3A_62 = arith.muli %arg1, %mul3A_61 : i32
    %mul3A_63 = arith.constant 640 : i32
    %mul3A_64 = arith.muli %arg1, %mul3A_63 : i32
    %run_scoped3A_65 = arith.constant 0 : i32
    "tpu.region"() ({
      %run_scoped3A_71 = tpu.sem_alloc : memref<!tpu.dma_semaphore, #tpu.memory_space<semaphore_mem>>
      %dma_start3A = tpu.memref_slice %arg8[%arg0, %run_scoped3A_65, %mul3A_64] : memref<2x1x10240xf32, #tpu.memory_space<hbm>> -> memref<1x1x640xf32, #tpu.memory_space<hbm>>
      %dma_start3A_72 = tpu.memref_squeeze %dma_start3A : memref<1x1x640xf32, #tpu.memory_space<hbm>> -> memref<640xf32, #tpu.memory_space<hbm>>
      %dma_start3A_73 = tpu.memref_slice %arg23[%mul3A_62] : memref<10240xf32, #tpu.memory_space<vmem_shared>> -> memref<640xf32, #tpu.memory_space<vmem_shared>>
      tpu.enqueue_dma source(%dma_start3A_73 : memref<640xf32, #tpu.memory_space<vmem_shared>>) target(%dma_start3A_72 : memref<640xf32, #tpu.memory_space<hbm>>) target_semaphore(%run_scoped3A_71 : memref<!tpu.dma_semaphore, #tpu.memory_space<semaphore_mem>>)
      %dma_wait3A = tpu.memref_slice %arg8[%arg0, %run_scoped3A_65, %mul3A_64] : memref<2x1x10240xf32, #tpu.memory_space<hbm>> -> memref<1x1x640xf32, #tpu.memory_space<hbm>>
      %dma_wait3A_74 = tpu.memref_squeeze %dma_wait3A : memref<1x1x640xf32, #tpu.memory_space<hbm>> -> memref<640xf32, #tpu.memory_space<hbm>>
      %dma_wait3A_75 = tpu.memref_slice %arg23[%mul3A_62] : memref<10240xf32, #tpu.memory_space<vmem_shared>> -> memref<640xf32, #tpu.memory_space<vmem_shared>>
      tpu.wait_dma2 semaphore(%run_scoped3A_71 : memref<!tpu.dma_semaphore, #tpu.memory_space<semaphore_mem>>) src(%dma_wait3A_75 : memref<640xf32, #tpu.memory_space<vmem_shared>>) dst(%dma_wait3A_74 : memref<640xf32, #tpu.memory_space<hbm>>)
      tpu.yield
    }) : () -> ()
    %mul3A_66 = arith.constant 640 : i32
    %mul3A_67 = arith.muli %arg1, %mul3A_66 : i32
    %mul3A_68 = arith.constant 640 : i32
    %mul3A_69 = arith.muli %arg1, %mul3A_68 : i32
    %run_scoped3A_70 = arith.constant 0 : i32
    "tpu.region"() ({
      %run_scoped3A_71 = tpu.sem_alloc : memref<!tpu.dma_semaphore, #tpu.memory_space<semaphore_mem>>
      %dma_start3A = tpu.memref_slice %arg9[%arg0, %run_scoped3A_70, %mul3A_69] : memref<2x1x10240xf32, #tpu.memory_space<hbm>> -> memref<1x1x640xf32, #tpu.memory_space<hbm>>
      %dma_start3A_72 = tpu.memref_squeeze %dma_start3A : memref<1x1x640xf32, #tpu.memory_space<hbm>> -> memref<640xf32, #tpu.memory_space<hbm>>
      %dma_start3A_73 = tpu.memref_slice %arg24[%mul3A_67] : memref<10240xf32, #tpu.memory_space<vmem_shared>> -> memref<640xf32, #tpu.memory_space<vmem_shared>>
      tpu.enqueue_dma source(%dma_start3A_73 : memref<640xf32, #tpu.memory_space<vmem_shared>>) target(%dma_start3A_72 : memref<640xf32, #tpu.memory_space<hbm>>) target_semaphore(%run_scoped3A_71 : memref<!tpu.dma_semaphore, #tpu.memory_space<semaphore_mem>>)
      %dma_wait3A = tpu.memref_slice %arg9[%arg0, %run_scoped3A_70, %mul3A_69] : memref<2x1x10240xf32, #tpu.memory_space<hbm>> -> memref<1x1x640xf32, #tpu.memory_space<hbm>>
      %dma_wait3A_74 = tpu.memref_squeeze %dma_wait3A : memref<1x1x640xf32, #tpu.memory_space<hbm>> -> memref<640xf32, #tpu.memory_space<hbm>>
      %dma_wait3A_75 = tpu.memref_slice %arg24[%mul3A_67] : memref<10240xf32, #tpu.memory_space<vmem_shared>> -> memref<640xf32, #tpu.memory_space<vmem_shared>>
      tpu.wait_dma2 semaphore(%run_scoped3A_71 : memref<!tpu.dma_semaphore, #tpu.memory_space<semaphore_mem>>) src(%dma_wait3A_75 : memref<640xf32, #tpu.memory_space<vmem_shared>>) dst(%dma_wait3A_74 : memref<640xf32, #tpu.memory_space<hbm>>)
      tpu.yield
    }) : () -> ()
    return
  }
}

module attributes {stable_mosaic.version = 14 : i64} {
  func.func @_tc_body(%arg0: i32, %arg1: memref<1x1000x16xf32, #tpu.memory_space<vmem>>, %arg2: memref<1x1x1000xi32, #tpu.memory_space<vmem>>, %arg3: memref<1x1x1000xf32, #tpu.memory_space<vmem>>, %arg4: memref<1x1000x8xf32, #tpu.memory_space<vmem>>, %arg5: memref<16x768xf32, #tpu.memory_space<vmem>>, %arg6: memref<768x768xf32, #tpu.memory_space<vmem>>, %arg7: memref<768x768xf32, #tpu.memory_space<vmem>>, %arg8: memref<768x768xf32, #tpu.memory_space<vmem>>, %arg9: memref<768x768xf32, #tpu.memory_space<vmem>>, %arg10: memref<1x768xf32, #tpu.memory_space<vmem>>, %arg11: memref<1x768xf32, #tpu.memory_space<vmem>>, %arg12: memref<3x768x768xf32, #tpu.memory_space<vmem>>, %arg13: memref<1x768xf32, #tpu.memory_space<vmem>>, %arg14: memref<16x768xf32, #tpu.memory_space<vmem>>, %arg15: memref<16x768xf32, #tpu.memory_space<vmem>>, %arg16: memref<1x16xf32, #tpu.memory_space<vmem>>, %arg17: memref<1x1xf32, #tpu.memory_space<vmem>>, %arg18: memref<1x1xf32, #tpu.memory_space<vmem>>, %arg19: memref<1x1xf32, #tpu.memory_space<vmem>>, %arg20: memref<1x1xf32, #tpu.memory_space<vmem>>, %arg21: memref<1x768xf32, #tpu.memory_space<vmem>>, %arg22: memref<2x8x768xf32, #tpu.memory_space<vmem>>, %arg23: memref<32x768xf32, #tpu.memory_space<vmem>>) attributes {dimension_semantics = [#tpu.dimension_semantics<arbitrary>], iteration_bounds = array<i64: 20>, scalar_prefetch = 0 : i64, scratch_operands = 2 : i64, tpu.core_type = #tpu.core_type<tc>, window_params = [{transform_indices = @transform_0, window_bounds = array<i64: 1, 1000, 16>}, {transform_indices = @transform_1, window_bounds = array<i64: 1, 1, 1000>}, {transform_indices = @transform_2, window_bounds = array<i64: 1, 1, 1000>}, {transform_indices = @transform_3, window_bounds = array<i64: 1, 1000, 8>}, {pipeline_mode = #tpu.pipeline_mode<synchronous>, transform_indices = @transform_4, window_bounds = array<i64: 16, 768>}, {pipeline_mode = #tpu.pipeline_mode<synchronous>, transform_indices = @transform_5, window_bounds = array<i64: 768, 768>}, {pipeline_mode = #tpu.pipeline_mode<synchronous>, transform_indices = @transform_6, window_bounds = array<i64: 768, 768>}, {pipeline_mode = #tpu.pipeline_mode<synchronous>, transform_indices = @transform_7, window_bounds = array<i64: 768, 768>}, {pipeline_mode = #tpu.pipeline_mode<synchronous>, transform_indices = @transform_8, window_bounds = array<i64: 768, 768>}, {pipeline_mode = #tpu.pipeline_mode<synchronous>, transform_indices = @transform_9, window_bounds = array<i64: 1, 768>}, {pipeline_mode = #tpu.pipeline_mode<synchronous>, transform_indices = @transform_10, window_bounds = array<i64: 1, 768>}, {pipeline_mode = #tpu.pipeline_mode<synchronous>, transform_indices = @transform_11, window_bounds = array<i64: 3, 768, 768>}, {pipeline_mode = #tpu.pipeline_mode<synchronous>, transform_indices = @transform_12, window_bounds = array<i64: 1, 768>}, {pipeline_mode = #tpu.pipeline_mode<synchronous>, transform_indices = @transform_13, window_bounds = array<i64: 16, 768>}, {pipeline_mode = #tpu.pipeline_mode<synchronous>, transform_indices = @transform_14, window_bounds = array<i64: 16, 768>}, {pipeline_mode = #tpu.pipeline_mode<synchronous>, transform_indices = @transform_15, window_bounds = array<i64: 1, 16>}, {pipeline_mode = #tpu.pipeline_mode<synchronous>, transform_indices = @transform_16, window_bounds = array<i64: 1, 1>}, {pipeline_mode = #tpu.pipeline_mode<synchronous>, transform_indices = @transform_17, window_bounds = array<i64: 1, 1>}, {pipeline_mode = #tpu.pipeline_mode<synchronous>, transform_indices = @transform_18, window_bounds = array<i64: 1, 1>}, {pipeline_mode = #tpu.pipeline_mode<synchronous>, transform_indices = @transform_19, window_bounds = array<i64: 1, 1>}, {pipeline_mode = #tpu.pipeline_mode<synchronous>, transform_indices = @transform_20, window_bounds = array<i64: 1, 768>}]} {
    %jit3A = arith.constant 10 : i32
    %div3A = arith.divsi %arg0, %jit3A : i32
    %sign3A = arith.constant 0 : i32
    %sign3A_0 = arith.cmpi sgt, %arg0, %sign3A : i32
    %sign3A_1 = arith.extui %sign3A_0 : i1 to i32
    %sign3A_2 = arith.constant 0 : i32
    %sign3A_3 = arith.cmpi slt, %arg0, %sign3A_2 : i32
    %sign3A_4 = arith.extui %sign3A_3 : i1 to i32
    %sign3A_5 = arith.subi %sign3A_1, %sign3A_4 : i32
    %sign3A_6 = arith.constant 0 : i32
    %sign3A_7 = arith.cmpi sgt, %jit3A, %sign3A_6 : i32
    %sign3A_8 = arith.extui %sign3A_7 : i1 to i32
    %sign3A_9 = arith.constant 0 : i32
    %sign3A_10 = arith.cmpi slt, %jit3A, %sign3A_9 : i32
    %sign3A_11 = arith.extui %sign3A_10 : i1 to i32
    %sign3A_12 = arith.subi %sign3A_8, %sign3A_11 : i32
    %ne3A = arith.cmpi ne, %sign3A_5, %sign3A_12 : i32
    %rem3A = arith.remsi %arg0, %jit3A : i32
    %ne3A_13 = arith.constant 0 : i32
    %ne3A_14 = arith.cmpi ne, %rem3A, %ne3A_13 : i32
    %and3A = arith.andi %ne3A, %ne3A_14 : i1
    %sub3A = arith.constant 1 : i32
    %sub3A_15 = arith.subi %div3A, %sub3A : i32
    %select_n3A = arith.select %and3A, %sub3A_15, %div3A : i32
    %eq3A = arith.constant 0 : i32
    %eq3A_16 = arith.cmpi eq, %arg0, %eq3A : i32
    %convert_element_type3A = arith.extui %eq3A_16 : i1 to i32
    %cond3A = arith.constant 0 : i32
    %cond3A_17 = arith.cmpi ne, %convert_element_type3A, %cond3A : i32
    scf.if %cond3A_17 {
      %get3A_134 = arith.constant 0 : index
      %get3A_135 = arith.constant 0 : index
      %get3A_136 = vector.load %arg5[%get3A_134, %get3A_135] : memref<16x768xf32, #tpu.memory_space<vmem>>, vector<16x768xf32>
      %get3A_137 = arith.constant 0 : index
      %get3A_138 = arith.constant 0 : index
      %get3A_139 = vector.load %arg6[%get3A_137, %get3A_138] : memref<768x768xf32, #tpu.memory_space<vmem>>, vector<768x768xf32>
      %convert_element_type3A_140 = arith.truncf %get3A_136 : vector<16x768xf32> to vector<16x768xbf16>
      %convert_element_type3A_141 = arith.extf %convert_element_type3A_140 : vector<16x768xbf16> to vector<16x768xf32>
      %sub3A_142 = arith.subf %get3A_136, %convert_element_type3A_141 : vector<16x768xf32>
      %convert_element_type3A_143 = arith.truncf %sub3A_142 : vector<16x768xf32> to vector<16x768xbf16>
      %convert_element_type3A_144 = arith.extf %convert_element_type3A_143 : vector<16x768xbf16> to vector<16x768xf32>
      %sub3A_145 = arith.subf %sub3A_142, %convert_element_type3A_144 : vector<16x768xf32>
      %convert_element_type3A_146 = arith.truncf %get3A_139 : vector<768x768xf32> to vector<768x768xbf16>
      %convert_element_type3A_147 = arith.extf %convert_element_type3A_146 : vector<768x768xbf16> to vector<768x768xf32>
      %sub3A_148 = arith.subf %get3A_139, %convert_element_type3A_147 : vector<768x768xf32>
      %convert_element_type3A_149 = arith.truncf %sub3A_148 : vector<768x768xf32> to vector<768x768xbf16>
      %convert_element_type3A_150 = arith.extf %convert_element_type3A_149 : vector<768x768xbf16> to vector<768x768xf32>
      %sub3A_151 = arith.subf %sub3A_148, %convert_element_type3A_150 : vector<768x768xf32>
      %dot_general3A_152 = arith.constant dense<0.000000e+00> : vector<16x768xf32>
      %dot_general3A_153 = tpu.matmul %convert_element_type3A_141, %sub3A_151, %dot_general3A_152 {dimension_numbers = #tpu.dot_dimension_numbers<[1], [0], [0], [1], [0, 0, 1, 1], [], []>, transpose_lhs_hint = false} : vector<16x768xf32>, vector<768x768xf32>, vector<16x768xf32> -> vector<16x768xf32>
      %dot_general3A_154 = arith.constant dense<0.000000e+00> : vector<16x768xf32>
      %dot_general3A_155 = tpu.matmul %sub3A_145, %convert_element_type3A_147, %dot_general3A_154 {dimension_numbers = #tpu.dot_dimension_numbers<[1], [0], [0], [1], [0, 0, 1, 1], [], []>, transpose_lhs_hint = false} : vector<16x768xf32>, vector<768x768xf32>, vector<16x768xf32> -> vector<16x768xf32>
      %add3A_156 = arith.addf %dot_general3A_153, %dot_general3A_155 : vector<16x768xf32>
      %dot_general3A_157 = arith.constant dense<0.000000e+00> : vector<16x768xf32>
      %dot_general3A_158 = tpu.matmul %convert_element_type3A_144, %convert_element_type3A_150, %dot_general3A_157 {dimension_numbers = #tpu.dot_dimension_numbers<[1], [0], [0], [1], [0, 0, 1, 1], [], []>, transpose_lhs_hint = false} : vector<16x768xf32>, vector<768x768xf32>, vector<16x768xf32> -> vector<16x768xf32>
      %add3A_159 = arith.addf %add3A_156, %dot_general3A_158 : vector<16x768xf32>
      %dot_general3A_160 = arith.constant dense<0.000000e+00> : vector<16x768xf32>
      %dot_general3A_161 = tpu.matmul %convert_element_type3A_141, %convert_element_type3A_150, %dot_general3A_160 {dimension_numbers = #tpu.dot_dimension_numbers<[1], [0], [0], [1], [0, 0, 1, 1], [], []>, transpose_lhs_hint = false} : vector<16x768xf32>, vector<768x768xf32>, vector<16x768xf32> -> vector<16x768xf32>
      %dot_general3A_162 = arith.constant dense<0.000000e+00> : vector<16x768xf32>
      %dot_general3A_163 = tpu.matmul %convert_element_type3A_144, %convert_element_type3A_147, %dot_general3A_162 {dimension_numbers = #tpu.dot_dimension_numbers<[1], [0], [0], [1], [0, 0, 1, 1], [], []>, transpose_lhs_hint = false} : vector<16x768xf32>, vector<768x768xf32>, vector<16x768xf32> -> vector<16x768xf32>
      %add3A_164 = arith.addf %dot_general3A_161, %dot_general3A_163 : vector<16x768xf32>
      %add3A_165 = arith.addf %add3A_159, %add3A_164 : vector<16x768xf32>
      %dot_general3A_166 = arith.constant dense<0.000000e+00> : vector<16x768xf32>
      %dot_general3A_167 = tpu.matmul %convert_element_type3A_141, %convert_element_type3A_147, %dot_general3A_166 {dimension_numbers = #tpu.dot_dimension_numbers<[1], [0], [0], [1], [0, 0, 1, 1], [], []>, transpose_lhs_hint = false} : vector<16x768xf32>, vector<768x768xf32>, vector<16x768xf32> -> vector<16x768xf32>
      %add3A_168 = arith.addf %add3A_165, %dot_general3A_167 : vector<16x768xf32>
      %swap3A_169 = arith.constant 0 : index
      %swap3A_170 = arith.constant 0 : index
      %swap3A_171 = vector.load %arg23[%swap3A_169, %swap3A_170] : memref<32x768xf32, #tpu.memory_space<vmem>>, vector<16x768xf32>
      tpu.vector_store %arg23[%swap3A_169, %swap3A_170], %add3A_168 {strides = array<i32>} : memref<32x768xf32, #tpu.memory_space<vmem>>, vector<16x768xf32>,
      %get3A_172 = arith.constant 0 : index
      %get3A_173 = arith.constant 0 : index
      %get3A_174 = vector.load %arg7[%get3A_172, %get3A_173] : memref<768x768xf32, #tpu.memory_space<vmem>>, vector<768x768xf32>
      %convert_element_type3A_175 = arith.truncf %get3A_136 : vector<16x768xf32> to vector<16x768xbf16>
      %convert_element_type3A_176 = arith.extf %convert_element_type3A_175 : vector<16x768xbf16> to vector<16x768xf32>
      %sub3A_177 = arith.subf %get3A_136, %convert_element_type3A_176 : vector<16x768xf32>
      %convert_element_type3A_178 = arith.truncf %sub3A_177 : vector<16x768xf32> to vector<16x768xbf16>
      %convert_element_type3A_179 = arith.extf %convert_element_type3A_178 : vector<16x768xbf16> to vector<16x768xf32>
      %sub3A_180 = arith.subf %sub3A_177, %convert_element_type3A_179 : vector<16x768xf32>
      %convert_element_type3A_181 = arith.truncf %get3A_174 : vector<768x768xf32> to vector<768x768xbf16>
      %convert_element_type3A_182 = arith.extf %convert_element_type3A_181 : vector<768x768xbf16> to vector<768x768xf32>
      %sub3A_183 = arith.subf %get3A_174, %convert_element_type3A_182 : vector<768x768xf32>
      %convert_element_type3A_184 = arith.truncf %sub3A_183 : vector<768x768xf32> to vector<768x768xbf16>
      %convert_element_type3A_185 = arith.extf %convert_element_type3A_184 : vector<768x768xbf16> to vector<768x768xf32>
      %sub3A_186 = arith.subf %sub3A_183, %convert_element_type3A_185 : vector<768x768xf32>
      %dot_general3A_187 = arith.constant dense<0.000000e+00> : vector<16x768xf32>
      %dot_general3A_188 = tpu.matmul %convert_element_type3A_176, %sub3A_186, %dot_general3A_187 {dimension_numbers = #tpu.dot_dimension_numbers<[1], [0], [0], [1], [0, 0, 1, 1], [], []>, transpose_lhs_hint = false} : vector<16x768xf32>, vector<768x768xf32>, vector<16x768xf32> -> vector<16x768xf32>
      %dot_general3A_189 = arith.constant dense<0.000000e+00> : vector<16x768xf32>
      %dot_general3A_190 = tpu.matmul %sub3A_180, %convert_element_type3A_182, %dot_general3A_189 {dimension_numbers = #tpu.dot_dimension_numbers<[1], [0], [0], [1], [0, 0, 1, 1], [], []>, transpose_lhs_hint = false} : vector<16x768xf32>, vector<768x768xf32>, vector<16x768xf32> -> vector<16x768xf32>
      %add3A_191 = arith.addf %dot_general3A_188, %dot_general3A_190 : vector<16x768xf32>
      %dot_general3A_192 = arith.constant dense<0.000000e+00> : vector<16x768xf32>
      %dot_general3A_193 = tpu.matmul %convert_element_type3A_179, %convert_element_type3A_185, %dot_general3A_192 {dimension_numbers = #tpu.dot_dimension_numbers<[1], [0], [0], [1], [0, 0, 1, 1], [], []>, transpose_lhs_hint = false} : vector<16x768xf32>, vector<768x768xf32>, vector<16x768xf32> -> vector<16x768xf32>
      %add3A_194 = arith.addf %add3A_191, %dot_general3A_193 : vector<16x768xf32>
      %dot_general3A_195 = arith.constant dense<0.000000e+00> : vector<16x768xf32>
      %dot_general3A_196 = tpu.matmul %convert_element_type3A_176, %convert_element_type3A_185, %dot_general3A_195 {dimension_numbers = #tpu.dot_dimension_numbers<[1], [0], [0], [1], [0, 0, 1, 1], [], []>, transpose_lhs_hint = false} : vector<16x768xf32>, vector<768x768xf32>, vector<16x768xf32> -> vector<16x768xf32>
      %dot_general3A_197 = arith.constant dense<0.000000e+00> : vector<16x768xf32>
      %dot_general3A_198 = tpu.matmul %convert_element_type3A_179, %convert_element_type3A_182, %dot_general3A_197 {dimension_numbers = #tpu.dot_dimension_numbers<[1], [0], [0], [1], [0, 0, 1, 1], [], []>, transpose_lhs_hint = false} : vector<16x768xf32>, vector<768x768xf32>, vector<16x768xf32> -> vector<16x768xf32>
      %add3A_199 = arith.addf %dot_general3A_196, %dot_general3A_198 : vector<16x768xf32>
      %add3A_200 = arith.addf %add3A_194, %add3A_199 : vector<16x768xf32>
      %dot_general3A_201 = arith.constant dense<0.000000e+00> : vector<16x768xf32>
      %dot_general3A_202 = tpu.matmul %convert_element_type3A_176, %convert_element_type3A_182, %dot_general3A_201 {dimension_numbers = #tpu.dot_dimension_numbers<[1], [0], [0], [1], [0, 0, 1, 1], [], []>, transpose_lhs_hint = false} : vector<16x768xf32>, vector<768x768xf32>, vector<16x768xf32> -> vector<16x768xf32>
      %add3A_203 = arith.addf %add3A_200, %dot_general3A_202 : vector<16x768xf32>
      %swap3A_204 = arith.constant 16 : index
      %swap3A_205 = arith.constant 0 : index
      %swap3A_206 = vector.load %arg23[%swap3A_204, %swap3A_205] : memref<32x768xf32, #tpu.memory_space<vmem>>, vector<16x768xf32>
      tpu.vector_store %arg23[%swap3A_204, %swap3A_205], %add3A_203 {strides = array<i32>} : memref<32x768xf32, #tpu.memory_space<vmem>>, vector<16x768xf32>,
      %broadcast_in_dim3A_207 = arith.constant 0.000000e+00 : f32
      %broadcast_in_dim3A_208 = vector.broadcast %broadcast_in_dim3A_207 : f32 to vector<2x8x768xf32>
      %swap3A_209 = arith.constant 0 : index
      %swap3A_210 = arith.constant 0 : index
      %swap3A_211 = arith.constant 0 : index
      %swap3A_212 = vector.load %arg22[%swap3A_209, %swap3A_210, %swap3A_211] : memref<2x8x768xf32, #tpu.memory_space<vmem>>, vector<2x8x768xf32>
      tpu.vector_store %arg22[%swap3A_209, %swap3A_210, %swap3A_211], %broadcast_in_dim3A_208 {strides = array<i32>} : memref<2x8x768xf32, #tpu.memory_space<vmem>>, vector<2x8x768xf32>,
    } else {
    }
    %get3A = arith.constant 0 : index
    %get3A_18 = arith.constant 0 : index
    %get3A_19 = arith.constant 0 : index
    %get3A_20 = vector.load %arg3[%get3A, %get3A_18, %get3A_19] : memref<1x1x1000xf32, #tpu.memory_space<vmem>>, vector<1x1x1000xf32>
    %get3A_21 = vector.shape_cast %get3A_20 : vector<1x1x1000xf32> to vector<1000xf32>
    %max3A = arith.constant 1.000000e+00 : f32
    %max3A_22 = vector.broadcast %max3A : f32 to vector<1000xf32>
    %max3A_23 = arith.maximumf %get3A_21, %max3A_22 : vector<1000xf32>
    %div3A_24 = arith.constant 1.000000e+00 : f32
    %div3A_25 = vector.broadcast %div3A_24 : f32 to vector<1000xf32>
    %div3A_26 = arith.divf %div3A_25, %max3A_23 : vector<1000xf32>
    %mul3A = arith.mulf %max3A_23, %div3A_26 : vector<1000xf32>
    %sub3A_27 = arith.constant 2.000000e+00 : f32
    %sub3A_28 = vector.broadcast %sub3A_27 : f32 to vector<1000xf32>
    %sub3A_29 = arith.subf %sub3A_28, %mul3A : vector<1000xf32>
    %mul3A_30 = arith.mulf %div3A_26, %sub3A_29 : vector<1000xf32>
    %get3A_31 = arith.constant 0 : index
    %get3A_32 = arith.constant 0 : index
    %get3A_33 = arith.constant 0 : index
    %get3A_34 = vector.load %arg1[%get3A_31, %get3A_32, %get3A_33] : memref<1x1000x16xf32, #tpu.memory_space<vmem>>, vector<1x1000x16xf32>
    %get3A_35 = vector.shape_cast %get3A_34 : vector<1x1000x16xf32> to vector<1000x16xf32>
    %broadcast_in_dim3A = vector.shape_cast %mul3A_30 : vector<1000xf32> to vector<1000x1xf32>
    %mul3A_36 = vector.broadcast %broadcast_in_dim3A : vector<1000x1xf32> to vector<1000x16xf32>
    %mul3A_37 = arith.mulf %get3A_35, %mul3A_36 : vector<1000x16xf32>
    %get3A_38 = arith.constant 0 : index
    %get3A_39 = arith.constant 0 : index
    %get3A_40 = arith.constant 0 : index
    %get3A_41 = vector.load %arg2[%get3A_38, %get3A_39, %get3A_40] : memref<1x1x1000xi32, #tpu.memory_space<vmem>>, vector<1x1x1000xi32>
    %get3A_42 = vector.shape_cast %get3A_41 : vector<1x1x1000xi32> to vector<1000xi32>
    %broadcast_in_dim3A_43 = vector.shape_cast %get3A_42 : vector<1000xi32> to vector<1000x1xi32>
    %iota3A = tpu.iota {dimensions = array<i32: 1>} : vector<1000x16xi32>
    %eq3A_44 = vector.broadcast %broadcast_in_dim3A_43 : vector<1000x1xi32> to vector<1000x16xi32>
    %eq3A_45 = arith.cmpi eq, %eq3A_44, %iota3A : vector<1000x16xi32>
    %convert_element_type3A_46 = arith.extui %eq3A_45 : vector<1000x16xi1> to vector<1000x16xi32>
    %convert_element_type3A_47 = arith.sitofp %convert_element_type3A_46 : vector<1000x16xi32> to vector<1000x16xf32>
    %concatenate3A = tpu.concatenate %mul3A_37, %convert_element_type3A_47 in 1 : vector<1000x16xf32>, vector<1000x16xf32> -> vector<1000x32xf32>
    %get3A_48 = arith.constant 0 : index
    %get3A_49 = arith.constant 0 : index
    %get3A_50 = vector.load %arg23[%get3A_48, %get3A_49] : memref<32x768xf32, #tpu.memory_space<vmem>>, vector<32x768xf32>
    %convert_element_type3A_51 = arith.truncf %concatenate3A : vector<1000x32xf32> to vector<1000x32xbf16>
    %convert_element_type3A_52 = arith.extf %convert_element_type3A_51 : vector<1000x32xbf16> to vector<1000x32xf32>
    %sub3A_53 = arith.subf %concatenate3A, %convert_element_type3A_52 : vector<1000x32xf32>
    %convert_element_type3A_54 = arith.truncf %sub3A_53 : vector<1000x32xf32> to vector<1000x32xbf16>
    %convert_element_type3A_55 = arith.extf %convert_element_type3A_54 : vector<1000x32xbf16> to vector<1000x32xf32>
    %sub3A_56 = arith.subf %sub3A_53, %convert_element_type3A_55 : vector<1000x32xf32>
    %convert_element_type3A_57 = arith.truncf %get3A_50 : vector<32x768xf32> to vector<32x768xbf16>
    %convert_element_type3A_58 = arith.extf %convert_element_type3A_57 : vector<32x768xbf16> to vector<32x768xf32>
    %sub3A_59 = arith.subf %get3A_50, %convert_element_type3A_58 : vector<32x768xf32>
    %convert_element_type3A_60 = arith.truncf %sub3A_59 : vector<32x768xf32> to vector<32x768xbf16>
    %convert_element_type3A_61 = arith.extf %convert_element_type3A_60 : vector<32x768xbf16> to vector<32x768xf32>
    %sub3A_62 = arith.subf %sub3A_59, %convert_element_type3A_61 : vector<32x768xf32>
    %dot_general3A = arith.constant dense<0.000000e+00> : vector<1000x768xf32>
    %dot_general3A_63 = tpu.matmul %convert_element_type3A_52, %sub3A_62, %dot_general3A {dimension_numbers = #tpu.dot_dimension_numbers<[1], [0], [0], [1], [0, 0, 1, 1], [], []>, transpose_lhs_hint = false} : vector<1000x32xf32>, vector<32x768xf32>, vector<1000x768xf32> -> vector<1000x768xf32>
    %dot_general3A_64 = arith.constant dense<0.000000e+00> : vector<1000x768xf32>
    %dot_general3A_65 = tpu.matmul %sub3A_56, %convert_element_type3A_58, %dot_general3A_64 {dimension_numbers = #tpu.dot_dimension_numbers<[1], [0], [0], [1], [0, 0, 1, 1], [], []>, transpose_lhs_hint = false} : vector<1000x32xf32>, vector<32x768xf32>, vector<1000x768xf32> -> vector<1000x768xf32>
    %add3A = arith.addf %dot_general3A_63, %dot_general3A_65 : vector<1000x768xf32>
    %dot_general3A_66 = arith.constant dense<0.000000e+00> : vector<1000x768xf32>
    %dot_general3A_67 = tpu.matmul %convert_element_type3A_55, %convert_element_type3A_61, %dot_general3A_66 {dimension_numbers = #tpu.dot_dimension_numbers<[1], [0], [0], [1], [0, 0, 1, 1], [], []>, transpose_lhs_hint = false} : vector<1000x32xf32>, vector<32x768xf32>, vector<1000x768xf32> -> vector<1000x768xf32>
    %add3A_68 = arith.addf %add3A, %dot_general3A_67 : vector<1000x768xf32>
    %dot_general3A_69 = arith.constant dense<0.000000e+00> : vector<1000x768xf32>
    %dot_general3A_70 = tpu.matmul %convert_element_type3A_52, %convert_element_type3A_61, %dot_general3A_69 {dimension_numbers = #tpu.dot_dimension_numbers<[1], [0], [0], [1], [0, 0, 1, 1], [], []>, transpose_lhs_hint = false} : vector<1000x32xf32>, vector<32x768xf32>, vector<1000x768xf32> -> vector<1000x768xf32>
    %dot_general3A_71 = arith.constant dense<0.000000e+00> : vector<1000x768xf32>
    %dot_general3A_72 = tpu.matmul %convert_element_type3A_55, %convert_element_type3A_58, %dot_general3A_71 {dimension_numbers = #tpu.dot_dimension_numbers<[1], [0], [0], [1], [0, 0, 1, 1], [], []>, transpose_lhs_hint = false} : vector<1000x32xf32>, vector<32x768xf32>, vector<1000x768xf32> -> vector<1000x768xf32>
    %add3A_73 = arith.addf %dot_general3A_70, %dot_general3A_72 : vector<1000x768xf32>
    %add3A_74 = arith.addf %add3A_68, %add3A_73 : vector<1000x768xf32>
    %dot_general3A_75 = arith.constant dense<0.000000e+00> : vector<1000x768xf32>
    %dot_general3A_76 = tpu.matmul %convert_element_type3A_52, %convert_element_type3A_58, %dot_general3A_75 {dimension_numbers = #tpu.dot_dimension_numbers<[1], [0], [0], [1], [0, 0, 1, 1], [], []>, transpose_lhs_hint = false} : vector<1000x32xf32>, vector<32x768xf32>, vector<1000x768xf32> -> vector<1000x768xf32>
    %add3A_77 = arith.addf %add3A_74, %dot_general3A_76 : vector<1000x768xf32>
    %get3A_78 = arith.constant 0 : index
    %get3A_79 = arith.constant 0 : index
    %get3A_80 = vector.load %arg10[%get3A_78, %get3A_79] : memref<1x768xf32, #tpu.memory_space<vmem>>, vector<1x768xf32>
    %add3A_81 = vector.broadcast %get3A_80 : vector<1x768xf32> to vector<1000x768xf32>
    %add3A_82 = arith.addf %add3A_77, %add3A_81 : vector<1000x768xf32>
    %max3A_83 = arith.constant 0.000000e+00 : f32
    %max3A_84 = vector.broadcast %max3A_83 : f32 to vector<1000x768xf32>
    %max3A_85 = arith.maximumf %add3A_82, %max3A_84 : vector<1000x768xf32>
    %get3A_86 = arith.constant 0 : index
    %get3A_87 = arith.constant 0 : index
    %get3A_88 = arith.constant 0 : index
    %get3A_89 = vector.load %arg4[%get3A_86, %get3A_87, %get3A_88] : memref<1x1000x8xf32, #tpu.memory_space<vmem>>, vector<1x1000x8xf32>
    %get3A_90 = vector.shape_cast %get3A_89 : vector<1x1000x8xf32> to vector<1000x8xf32>
    %convert_element_type3A_91 = arith.truncf %get3A_90 : vector<1000x8xf32> to vector<1000x8xbf16>
    %convert_element_type3A_92 = arith.extf %convert_element_type3A_91 : vector<1000x8xbf16> to vector<1000x8xf32>
    %sub3A_93 = arith.subf %get3A_90, %convert_element_type3A_92 : vector<1000x8xf32>
    %convert_element_type3A_94 = arith.truncf %sub3A_93 : vector<1000x8xf32> to vector<1000x8xbf16>
    %convert_element_type3A_95 = arith.extf %convert_element_type3A_94 : vector<1000x8xbf16> to vector<1000x8xf32>
    %sub3A_96 = arith.subf %sub3A_93, %convert_element_type3A_95 : vector<1000x8xf32>
    %convert_element_type3A_97 = arith.truncf %max3A_85 : vector<1000x768xf32> to vector<1000x768xbf16>
    %convert_element_type3A_98 = arith.extf %convert_element_type3A_97 : vector<1000x768xbf16> to vector<1000x768xf32>
    %sub3A_99 = arith.subf %max3A_85, %convert_element_type3A_98 : vector<1000x768xf32>
    %convert_element_type3A_100 = arith.truncf %sub3A_99 : vector<1000x768xf32> to vector<1000x768xbf16>
    %convert_element_type3A_101 = arith.extf %convert_element_type3A_100 : vector<1000x768xbf16> to vector<1000x768xf32>
    %sub3A_102 = arith.subf %sub3A_99, %convert_element_type3A_101 : vector<1000x768xf32>
    %dot_general3A_103 = arith.constant dense<0.000000e+00> : vector<8x768xf32>
    %dot_general3A_104 = tpu.matmul %convert_element_type3A_92, %sub3A_102, %dot_general3A_103 {dimension_numbers = #tpu.dot_dimension_numbers<[0], [0], [1], [1], [0, 1, 1, 1], [], []>, transpose_lhs_hint = false} : vector<1000x8xf32>, vector<1000x768xf32>, vector<8x768xf32> -> vector<8x768xf32>
    %dot_general3A_105 = arith.constant dense<0.000000e+00> : vector<8x768xf32>
    %dot_general3A_106 = tpu.matmul %sub3A_96, %convert_element_type3A_98, %dot_general3A_105 {dimension_numbers = #tpu.dot_dimension_numbers<[0], [0], [1], [1], [0, 1, 1, 1], [], []>, transpose_lhs_hint = false} : vector<1000x8xf32>, vector<1000x768xf32>, vector<8x768xf32> -> vector<8x768xf32>
    %add3A_107 = arith.addf %dot_general3A_104, %dot_general3A_106 : vector<8x768xf32>
    %dot_general3A_108 = arith.constant dense<0.000000e+00> : vector<8x768xf32>
    %dot_general3A_109 = tpu.matmul %convert_element_type3A_95, %convert_element_type3A_101, %dot_general3A_108 {dimension_numbers = #tpu.dot_dimension_numbers<[0], [0], [1], [1], [0, 1, 1, 1], [], []>, transpose_lhs_hint = false} : vector<1000x8xf32>, vector<1000x768xf32>, vector<8x768xf32> -> vector<8x768xf32>
    %add3A_110 = arith.addf %add3A_107, %dot_general3A_109 : vector<8x768xf32>
    %dot_general3A_111 = arith.constant dense<0.000000e+00> : vector<8x768xf32>
    %dot_general3A_112 = tpu.matmul %convert_element_type3A_92, %convert_element_type3A_101, %dot_general3A_111 {dimension_numbers = #tpu.dot_dimension_numbers<[0], [0], [1], [1], [0, 1, 1, 1], [], []>, transpose_lhs_hint = false} : vector<1000x8xf32>, vector<1000x768xf32>, vector<8x768xf32> -> vector<8x768xf32>
    %dot_general3A_113 = arith.constant dense<0.000000e+00> : vector<8x768xf32>
    %dot_general3A_114 = tpu.matmul %convert_element_type3A_95, %convert_element_type3A_98, %dot_general3A_113 {dimension_numbers = #tpu.dot_dimension_numbers<[0], [0], [1], [1], [0, 1, 1, 1], [], []>, transpose_lhs_hint = false} : vector<1000x8xf32>, vector<1000x768xf32>, vector<8x768xf32> -> vector<8x768xf32>
    %add3A_115 = arith.addf %dot_general3A_112, %dot_general3A_114 : vector<8x768xf32>
    %add3A_116 = arith.addf %add3A_110, %add3A_115 : vector<8x768xf32>
    %dot_general3A_117 = arith.constant dense<0.000000e+00> : vector<8x768xf32>
    %dot_general3A_118 = tpu.matmul %convert_element_type3A_92, %convert_element_type3A_98, %dot_general3A_117 {dimension_numbers = #tpu.dot_dimension_numbers<[0], [0], [1], [1], [0, 1, 1, 1], [], []>, transpose_lhs_hint = false} : vector<1000x8xf32>, vector<1000x768xf32>, vector<8x768xf32> -> vector<8x768xf32>
    %add3A_119 = arith.addf %add3A_116, %dot_general3A_118 : vector<8x768xf32>
    %get3A_120 = arith.index_cast %select_n3A : i32 to index
    %get3A_121 = arith.constant 0 : index
    %get3A_122 = arith.constant 0 : index
    %get3A_123 = vector.load %arg22[%get3A_120, %get3A_121, %get3A_122] : memref<2x8x768xf32, #tpu.memory_space<vmem>>, vector<1x8x768xf32>
    %broadcast_in_dim3A_124 = vector.shape_cast %add3A_119 : vector<8x768xf32> to vector<1x8x768xf32>
    %add3A_125 = arith.addf %get3A_123, %broadcast_in_dim3A_124 : vector<1x8x768xf32>
    %swap3A = arith.index_cast %select_n3A : i32 to index
    %swap3A_126 = arith.constant 0 : index
    %swap3A_127 = arith.constant 0 : index
    %swap3A_128 = vector.load %arg22[%swap3A, %swap3A_126, %swap3A_127] : memref<2x8x768xf32, #tpu.memory_space<vmem>>, vector<1x8x768xf32>
    tpu.vector_store %arg22[%swap3A, %swap3A_126, %swap3A_127], %add3A_125 {strides = array<i32>} : memref<2x8x768xf32, #tpu.memory_space<vmem>>, vector<1x8x768xf32>,
    %eq3A_129 = arith.constant 19 : i32
    %eq3A_130 = arith.cmpi eq, %arg0, %eq3A_129 : i32
    %convert_element_type3A_131 = arith.extui %eq3A_130 : i1 to i32
    %cond3A_132 = arith.constant 0 : i32
    %cond3A_133 = arith.cmpi ne, %convert_element_type3A_131, %cond3A_132 : i32
    scf.if %cond3A_133 {
      %get3A_134 = arith.constant 0 : index
      %get3A_135 = arith.constant 0 : index
      %get3A_136 = arith.constant 0 : index
      %get3A_137 = vector.load %arg22[%get3A_134, %get3A_135, %get3A_136] : memref<2x8x768xf32, #tpu.memory_space<vmem>>, vector<1x8x768xf32>
      %get3A_138 = vector.shape_cast %get3A_137 : vector<1x8x768xf32> to vector<8x768xf32>
      %get3A_139 = arith.constant 1 : index
      %get3A_140 = arith.constant 0 : index
      %get3A_141 = arith.constant 0 : index
      %get3A_142 = vector.load %arg22[%get3A_139, %get3A_140, %get3A_141] : memref<2x8x768xf32, #tpu.memory_space<vmem>>, vector<1x8x768xf32>
      %get3A_143 = vector.shape_cast %get3A_142 : vector<1x8x768xf32> to vector<8x768xf32>
      %slice3A = vector.extract_strided_slice %get3A_138 {offsets = [0, 0], sizes = [1, 768], strides = [1, 1]} : vector<8x768xf32> to vector<1x768xf32>
      %slice3A_144 = vector.extract_strided_slice %get3A_138 {offsets = [1, 0], sizes = [1, 768], strides = [1, 1]} : vector<8x768xf32> to vector<1x768xf32>
      %slice3A_145 = vector.extract_strided_slice %get3A_138 {offsets = [2, 0], sizes = [1, 768], strides = [1, 1]} : vector<8x768xf32> to vector<1x768xf32>
      %slice3A_146 = vector.extract_strided_slice %get3A_138 {offsets = [3, 0], sizes = [1, 768], strides = [1, 1]} : vector<8x768xf32> to vector<1x768xf32>
      %slice3A_147 = vector.extract_strided_slice %get3A_143 {offsets = [0, 0], sizes = [1, 768], strides = [1, 1]} : vector<8x768xf32> to vector<1x768xf32>
      %slice3A_148 = vector.extract_strided_slice %get3A_143 {offsets = [1, 0], sizes = [1, 768], strides = [1, 1]} : vector<8x768xf32> to vector<1x768xf32>
      %get3A_149 = arith.constant 0 : index
      %get3A_150 = arith.constant 0 : index
      %get3A_151 = vector.load %arg18[%get3A_149, %get3A_150] : memref<1x1xf32, #tpu.memory_space<vmem>>, vector<1x1xf32>
      %get3A_152 = arith.constant 0 : index
      %get3A_153 = arith.constant 0 : index
      %get3A_154 = vector.load %arg8[%get3A_152, %get3A_153] : memref<768x768xf32, #tpu.memory_space<vmem>>, vector<768x768xf32>
      %get3A_155 = arith.constant 0 : index
      %get3A_156 = arith.constant 0 : index
      %get3A_157 = vector.load %arg9[%get3A_155, %get3A_156] : memref<768x768xf32, #tpu.memory_space<vmem>>, vector<768x768xf32>
      %get3A_158 = arith.constant 0 : index
      %get3A_159 = arith.constant 0 : index
      %get3A_160 = vector.load %arg11[%get3A_158, %get3A_159] : memref<1x768xf32, #tpu.memory_space<vmem>>, vector<1x768xf32>
      %div3A_161 = arith.constant 1.000000e+00 : f32
      %div3A_162 = vector.broadcast %div3A_161 : f32 to vector<1x1xf32>
      %div3A_163 = arith.divf %div3A_162, %get3A_151 : vector<1x1xf32>
      %mul3A_164 = arith.mulf %get3A_151, %div3A_163 : vector<1x1xf32>
      %sub3A_165 = arith.constant 2.000000e+00 : f32
      %sub3A_166 = vector.broadcast %sub3A_165 : f32 to vector<1x1xf32>
      %sub3A_167 = arith.subf %sub3A_166, %mul3A_164 : vector<1x1xf32>
      %mul3A_168 = arith.mulf %div3A_163, %sub3A_167 : vector<1x1xf32>
      %mul3A_169 = arith.constant 9.99999974E-5 : f32
      %mul3A_170 = vector.broadcast %mul3A_169 : f32 to vector<1x768xf32>
      %mul3A_171 = arith.mulf %slice3A, %mul3A_170 : vector<1x768xf32>
      %convert_element_type3A_172 = arith.truncf %mul3A_171 : vector<1x768xf32> to vector<1x768xbf16>
      %convert_element_type3A_173 = arith.extf %convert_element_type3A_172 : vector<1x768xbf16> to vector<1x768xf32>
      %sub3A_174 = arith.subf %mul3A_171, %convert_element_type3A_173 : vector<1x768xf32>
      %convert_element_type3A_175 = arith.truncf %sub3A_174 : vector<1x768xf32> to vector<1x768xbf16>
      %convert_element_type3A_176 = arith.extf %convert_element_type3A_175 : vector<1x768xbf16> to vector<1x768xf32>
      %sub3A_177 = arith.subf %sub3A_174, %convert_element_type3A_176 : vector<1x768xf32>
      %convert_element_type3A_178 = arith.truncf %get3A_154 : vector<768x768xf32> to vector<768x768xbf16>
      %convert_element_type3A_179 = arith.extf %convert_element_type3A_178 : vector<768x768xbf16> to vector<768x768xf32>
      %sub3A_180 = arith.subf %get3A_154, %convert_element_type3A_179 : vector<768x768xf32>
      %convert_element_type3A_181 = arith.truncf %sub3A_180 : vector<768x768xf32> to vector<768x768xbf16>
      %convert_element_type3A_182 = arith.extf %convert_element_type3A_181 : vector<768x768xbf16> to vector<768x768xf32>
      %sub3A_183 = arith.subf %sub3A_180, %convert_element_type3A_182 : vector<768x768xf32>
      %dot_general3A_184 = arith.constant dense<0.000000e+00> : vector<1x768xf32>
      %dot_general3A_185 = tpu.matmul %convert_element_type3A_173, %sub3A_183, %dot_general3A_184 {dimension_numbers = #tpu.dot_dimension_numbers<[1], [0], [0], [1], [0, 0, 1, 1], [], []>, transpose_lhs_hint = false} : vector<1x768xf32>, vector<768x768xf32>, vector<1x768xf32> -> vector<1x768xf32>
      %dot_general3A_186 = arith.constant dense<0.000000e+00> : vector<1x768xf32>
      %dot_general3A_187 = tpu.matmul %sub3A_177, %convert_element_type3A_179, %dot_general3A_186 {dimension_numbers = #tpu.dot_dimension_numbers<[1], [0], [0], [1], [0, 0, 1, 1], [], []>, transpose_lhs_hint = false} : vector<1x768xf32>, vector<768x768xf32>, vector<1x768xf32> -> vector<1x768xf32>
      %add3A_188 = arith.addf %dot_general3A_185, %dot_general3A_187 : vector<1x768xf32>
      %dot_general3A_189 = arith.constant dense<0.000000e+00> : vector<1x768xf32>
      %dot_general3A_190 = tpu.matmul %convert_element_type3A_176, %convert_element_type3A_182, %dot_general3A_189 {dimension_numbers = #tpu.dot_dimension_numbers<[1], [0], [0], [1], [0, 0, 1, 1], [], []>, transpose_lhs_hint = false} : vector<1x768xf32>, vector<768x768xf32>, vector<1x768xf32> -> vector<1x768xf32>
      %add3A_191 = arith.addf %add3A_188, %dot_general3A_190 : vector<1x768xf32>
      %dot_general3A_192 = arith.constant dense<0.000000e+00> : vector<1x768xf32>
      %dot_general3A_193 = tpu.matmul %convert_element_type3A_173, %convert_element_type3A_182, %dot_general3A_192 {dimension_numbers = #tpu.dot_dimension_numbers<[1], [0], [0], [1], [0, 0, 1, 1], [], []>, transpose_lhs_hint = false} : vector<1x768xf32>, vector<768x768xf32>, vector<1x768xf32> -> vector<1x768xf32>
      %dot_general3A_194 = arith.constant dense<0.000000e+00> : vector<1x768xf32>
      %dot_general3A_195 = tpu.matmul %convert_element_type3A_176, %convert_element_type3A_179, %dot_general3A_194 {dimension_numbers = #tpu.dot_dimension_numbers<[1], [0], [0], [1], [0, 0, 1, 1], [], []>, transpose_lhs_hint = false} : vector<1x768xf32>, vector<768x768xf32>, vector<1x768xf32> -> vector<1x768xf32>
      %add3A_196 = arith.addf %dot_general3A_193, %dot_general3A_195 : vector<1x768xf32>
      %add3A_197 = arith.addf %add3A_191, %add3A_196 : vector<1x768xf32>
      %dot_general3A_198 = arith.constant dense<0.000000e+00> : vector<1x768xf32>
      %dot_general3A_199 = tpu.matmul %convert_element_type3A_173, %convert_element_type3A_179, %dot_general3A_198 {dimension_numbers = #tpu.dot_dimension_numbers<[1], [0], [0], [1], [0, 0, 1, 1], [], []>, transpose_lhs_hint = false} : vector<1x768xf32>, vector<768x768xf32>, vector<1x768xf32> -> vector<1x768xf32>
      %add3A_200 = arith.addf %add3A_197, %dot_general3A_199 : vector<1x768xf32>
      %add3A_201 = arith.addf %add3A_200, %get3A_160 : vector<1x768xf32>
      %mul3A_202 = arith.constant 9.99999974E-5 : f32
      %mul3A_203 = vector.broadcast %mul3A_202 : f32 to vector<1x768xf32>
      %mul3A_204 = arith.mulf %slice3A_144, %mul3A_203 : vector<1x768xf32>
      %convert_element_type3A_205 = arith.truncf %mul3A_204 : vector<1x768xf32> to vector<1x768xbf16>
      %convert_element_type3A_206 = arith.extf %convert_element_type3A_205 : vector<1x768xbf16> to vector<1x768xf32>
      %sub3A_207 = arith.subf %mul3A_204, %convert_element_type3A_206 : vector<1x768xf32>
      %convert_element_type3A_208 = arith.truncf %sub3A_207 : vector<1x768xf32> to vector<1x768xbf16>
      %convert_element_type3A_209 = arith.extf %convert_element_type3A_208 : vector<1x768xbf16> to vector<1x768xf32>
      %sub3A_210 = arith.subf %sub3A_207, %convert_element_type3A_209 : vector<1x768xf32>
      %convert_element_type3A_211 = arith.truncf %get3A_157 : vector<768x768xf32> to vector<768x768xbf16>
      %convert_element_type3A_212 = arith.extf %convert_element_type3A_211 : vector<768x768xbf16> to vector<768x768xf32>
      %sub3A_213 = arith.subf %get3A_157, %convert_element_type3A_212 : vector<768x768xf32>
      %convert_element_type3A_214 = arith.truncf %sub3A_213 : vector<768x768xf32> to vector<768x768xbf16>
      %convert_element_type3A_215 = arith.extf %convert_element_type3A_214 : vector<768x768xbf16> to vector<768x768xf32>
      %sub3A_216 = arith.subf %sub3A_213, %convert_element_type3A_215 : vector<768x768xf32>
      %dot_general3A_217 = arith.constant dense<0.000000e+00> : vector<1x768xf32>
      %dot_general3A_218 = tpu.matmul %convert_element_type3A_206, %sub3A_216, %dot_general3A_217 {dimension_numbers = #tpu.dot_dimension_numbers<[1], [0], [0], [1], [0, 0, 1, 1], [], []>, transpose_lhs_hint = false} : vector<1x768xf32>, vector<768x768xf32>, vector<1x768xf32> -> vector<1x768xf32>
      %dot_general3A_219 = arith.constant dense<0.000000e+00> : vector<1x768xf32>
      %dot_general3A_220 = tpu.matmul %sub3A_210, %convert_element_type3A_212, %dot_general3A_219 {dimension_numbers = #tpu.dot_dimension_numbers<[1], [0], [0], [1], [0, 0, 1, 1], [], []>, transpose_lhs_hint = false} : vector<1x768xf32>, vector<768x768xf32>, vector<1x768xf32> -> vector<1x768xf32>
      %add3A_221 = arith.addf %dot_general3A_218, %dot_general3A_220 : vector<1x768xf32>
      %dot_general3A_222 = arith.constant dense<0.000000e+00> : vector<1x768xf32>
      %dot_general3A_223 = tpu.matmul %convert_element_type3A_209, %convert_element_type3A_215, %dot_general3A_222 {dimension_numbers = #tpu.dot_dimension_numbers<[1], [0], [0], [1], [0, 0, 1, 1], [], []>, transpose_lhs_hint = false} : vector<1x768xf32>, vector<768x768xf32>, vector<1x768xf32> -> vector<1x768xf32>
      %add3A_224 = arith.addf %add3A_221, %dot_general3A_223 : vector<1x768xf32>
      %dot_general3A_225 = arith.constant dense<0.000000e+00> : vector<1x768xf32>
      %dot_general3A_226 = tpu.matmul %convert_element_type3A_206, %convert_element_type3A_215, %dot_general3A_225 {dimension_numbers = #tpu.dot_dimension_numbers<[1], [0], [0], [1], [0, 0, 1, 1], [], []>, transpose_lhs_hint = false} : vector<1x768xf32>, vector<768x768xf32>, vector<1x768xf32> -> vector<1x768xf32>
      %dot_general3A_227 = arith.constant dense<0.000000e+00> : vector<1x768xf32>
      %dot_general3A_228 = tpu.matmul %convert_element_type3A_209, %convert_element_type3A_212, %dot_general3A_227 {dimension_numbers = #tpu.dot_dimension_numbers<[1], [0], [0], [1], [0, 0, 1, 1], [], []>, transpose_lhs_hint = false} : vector<1x768xf32>, vector<768x768xf32>, vector<1x768xf32> -> vector<1x768xf32>
      %add3A_229 = arith.addf %dot_general3A_226, %dot_general3A_228 : vector<1x768xf32>
      %add3A_230 = arith.addf %add3A_224, %add3A_229 : vector<1x768xf32>
      %dot_general3A_231 = arith.constant dense<0.000000e+00> : vector<1x768xf32>
      %dot_general3A_232 = tpu.matmul %convert_element_type3A_206, %convert_element_type3A_212, %dot_general3A_231 {dimension_numbers = #tpu.dot_dimension_numbers<[1], [0], [0], [1], [0, 0, 1, 1], [], []>, transpose_lhs_hint = false} : vector<1x768xf32>, vector<768x768xf32>, vector<1x768xf32> -> vector<1x768xf32>
      %add3A_233 = arith.addf %add3A_230, %dot_general3A_232 : vector<1x768xf32>
      %add3A_234 = arith.addf %add3A_201, %add3A_233 : vector<1x768xf32>
      %mul3A_235 = vector.broadcast %mul3A_168 : vector<1x1xf32> to vector<1x768xf32>
      %mul3A_236 = arith.mulf %slice3A_145, %mul3A_235 : vector<1x768xf32>
      %convert_element_type3A_237 = arith.truncf %mul3A_236 : vector<1x768xf32> to vector<1x768xbf16>
      %convert_element_type3A_238 = arith.extf %convert_element_type3A_237 : vector<1x768xbf16> to vector<1x768xf32>
      %sub3A_239 = arith.subf %mul3A_236, %convert_element_type3A_238 : vector<1x768xf32>
      %convert_element_type3A_240 = arith.truncf %sub3A_239 : vector<1x768xf32> to vector<1x768xbf16>
      %convert_element_type3A_241 = arith.extf %convert_element_type3A_240 : vector<1x768xbf16> to vector<1x768xf32>
      %sub3A_242 = arith.subf %sub3A_239, %convert_element_type3A_241 : vector<1x768xf32>
      %convert_element_type3A_243 = arith.truncf %get3A_154 : vector<768x768xf32> to vector<768x768xbf16>
      %convert_element_type3A_244 = arith.extf %convert_element_type3A_243 : vector<768x768xbf16> to vector<768x768xf32>
      %sub3A_245 = arith.subf %get3A_154, %convert_element_type3A_244 : vector<768x768xf32>
      %convert_element_type3A_246 = arith.truncf %sub3A_245 : vector<768x768xf32> to vector<768x768xbf16>
      %convert_element_type3A_247 = arith.extf %convert_element_type3A_246 : vector<768x768xbf16> to vector<768x768xf32>
      %sub3A_248 = arith.subf %sub3A_245, %convert_element_type3A_247 : vector<768x768xf32>
      %dot_general3A_249 = arith.constant dense<0.000000e+00> : vector<1x768xf32>
      %dot_general3A_250 = tpu.matmul %convert_element_type3A_238, %sub3A_248, %dot_general3A_249 {dimension_numbers = #tpu.dot_dimension_numbers<[1], [0], [0], [1], [0, 0, 1, 1], [], []>, transpose_lhs_hint = false} : vector<1x768xf32>, vector<768x768xf32>, vector<1x768xf32> -> vector<1x768xf32>
      %dot_general3A_251 = arith.constant dense<0.000000e+00> : vector<1x768xf32>
      %dot_general3A_252 = tpu.matmul %sub3A_242, %convert_element_type3A_244, %dot_general3A_251 {dimension_numbers = #tpu.dot_dimension_numbers<[1], [0], [0], [1], [0, 0, 1, 1], [], []>, transpose_lhs_hint = false} : vector<1x768xf32>, vector<768x768xf32>, vector<1x768xf32> -> vector<1x768xf32>
      %add3A_253 = arith.addf %dot_general3A_250, %dot_general3A_252 : vector<1x768xf32>
      %dot_general3A_254 = arith.constant dense<0.000000e+00> : vector<1x768xf32>
      %dot_general3A_255 = tpu.matmul %convert_element_type3A_241, %convert_element_type3A_247, %dot_general3A_254 {dimension_numbers = #tpu.dot_dimension_numbers<[1], [0], [0], [1], [0, 0, 1, 1], [], []>, transpose_lhs_hint = false} : vector<1x768xf32>, vector<768x768xf32>, vector<1x768xf32> -> vector<1x768xf32>
      %add3A_256 = arith.addf %add3A_253, %dot_general3A_255 : vector<1x768xf32>
      %dot_general3A_257 = arith.constant dense<0.000000e+00> : vector<1x768xf32>
      %dot_general3A_258 = tpu.matmul %convert_element_type3A_238, %convert_element_type3A_247, %dot_general3A_257 {dimension_numbers = #tpu.dot_dimension_numbers<[1], [0], [0], [1], [0, 0, 1, 1], [], []>, transpose_lhs_hint = false} : vector<1x768xf32>, vector<768x768xf32>, vector<1x768xf32> -> vector<1x768xf32>
      %dot_general3A_259 = arith.constant dense<0.000000e+00> : vector<1x768xf32>
      %dot_general3A_260 = tpu.matmul %convert_element_type3A_241, %convert_element_type3A_244, %dot_general3A_259 {dimension_numbers = #tpu.dot_dimension_numbers<[1], [0], [0], [1], [0, 0, 1, 1], [], []>, transpose_lhs_hint = false} : vector<1x768xf32>, vector<768x768xf32>, vector<1x768xf32> -> vector<1x768xf32>
      %add3A_261 = arith.addf %dot_general3A_258, %dot_general3A_260 : vector<1x768xf32>
      %add3A_262 = arith.addf %add3A_256, %add3A_261 : vector<1x768xf32>
      %dot_general3A_263 = arith.constant dense<0.000000e+00> : vector<1x768xf32>
      %dot_general3A_264 = tpu.matmul %convert_element_type3A_238, %convert_element_type3A_244, %dot_general3A_263 {dimension_numbers = #tpu.dot_dimension_numbers<[1], [0], [0], [1], [0, 0, 1, 1], [], []>, transpose_lhs_hint = false} : vector<1x768xf32>, vector<768x768xf32>, vector<1x768xf32> -> vector<1x768xf32>
      %add3A_265 = arith.addf %add3A_262, %dot_general3A_264 : vector<1x768xf32>
      %add3A_266 = arith.addf %add3A_265, %get3A_160 : vector<1x768xf32>
      %convert_element_type3A_267 = arith.truncf %slice3A_146 : vector<1x768xf32> to vector<1x768xbf16>
      %convert_element_type3A_268 = arith.extf %convert_element_type3A_267 : vector<1x768xbf16> to vector<1x768xf32>
      %sub3A_269 = arith.subf %slice3A_146, %convert_element_type3A_268 : vector<1x768xf32>
      %convert_element_type3A_270 = arith.truncf %sub3A_269 : vector<1x768xf32> to vector<1x768xbf16>
      %convert_element_type3A_271 = arith.extf %convert_element_type3A_270 : vector<1x768xbf16> to vector<1x768xf32>
      %sub3A_272 = arith.subf %sub3A_269, %convert_element_type3A_271 : vector<1x768xf32>
      %convert_element_type3A_273 = arith.truncf %get3A_157 : vector<768x768xf32> to vector<768x768xbf16>
      %convert_element_type3A_274 = arith.extf %convert_element_type3A_273 : vector<768x768xbf16> to vector<768x768xf32>
      %sub3A_275 = arith.subf %get3A_157, %convert_element_type3A_274 : vector<768x768xf32>
      %convert_element_type3A_276 = arith.truncf %sub3A_275 : vector<768x768xf32> to vector<768x768xbf16>
      %convert_element_type3A_277 = arith.extf %convert_element_type3A_276 : vector<768x768xbf16> to vector<768x768xf32>
      %sub3A_278 = arith.subf %sub3A_275, %convert_element_type3A_277 : vector<768x768xf32>
      %dot_general3A_279 = arith.constant dense<0.000000e+00> : vector<1x768xf32>
      %dot_general3A_280 = tpu.matmul %convert_element_type3A_268, %sub3A_278, %dot_general3A_279 {dimension_numbers = #tpu.dot_dimension_numbers<[1], [0], [0], [1], [0, 0, 1, 1], [], []>, transpose_lhs_hint = false} : vector<1x768xf32>, vector<768x768xf32>, vector<1x768xf32> -> vector<1x768xf32>
      %dot_general3A_281 = arith.constant dense<0.000000e+00> : vector<1x768xf32>
      %dot_general3A_282 = tpu.matmul %sub3A_272, %convert_element_type3A_274, %dot_general3A_281 {dimension_numbers = #tpu.dot_dimension_numbers<[1], [0], [0], [1], [0, 0, 1, 1], [], []>, transpose_lhs_hint = false} : vector<1x768xf32>, vector<768x768xf32>, vector<1x768xf32> -> vector<1x768xf32>
      %add3A_283 = arith.addf %dot_general3A_280, %dot_general3A_282 : vector<1x768xf32>
      %dot_general3A_284 = arith.constant dense<0.000000e+00> : vector<1x768xf32>
      %dot_general3A_285 = tpu.matmul %convert_element_type3A_271, %convert_element_type3A_277, %dot_general3A_284 {dimension_numbers = #tpu.dot_dimension_numbers<[1], [0], [0], [1], [0, 0, 1, 1], [], []>, transpose_lhs_hint = false} : vector<1x768xf32>, vector<768x768xf32>, vector<1x768xf32> -> vector<1x768xf32>
      %add3A_286 = arith.addf %add3A_283, %dot_general3A_285 : vector<1x768xf32>
      %dot_general3A_287 = arith.constant dense<0.000000e+00> : vector<1x768xf32>
      %dot_general3A_288 = tpu.matmul %convert_element_type3A_268, %convert_element_type3A_277, %dot_general3A_287 {dimension_numbers = #tpu.dot_dimension_numbers<[1], [0], [0], [1], [0, 0, 1, 1], [], []>, transpose_lhs_hint = false} : vector<1x768xf32>, vector<768x768xf32>, vector<1x768xf32> -> vector<1x768xf32>
      %dot_general3A_289 = arith.constant dense<0.000000e+00> : vector<1x768xf32>
      %dot_general3A_290 = tpu.matmul %convert_element_type3A_271, %convert_element_type3A_274, %dot_general3A_289 {dimension_numbers = #tpu.dot_dimension_numbers<[1], [0], [0], [1], [0, 0, 1, 1], [], []>, transpose_lhs_hint = false} : vector<1x768xf32>, vector<768x768xf32>, vector<1x768xf32> -> vector<1x768xf32>
      %add3A_291 = arith.addf %dot_general3A_288, %dot_general3A_290 : vector<1x768xf32>
      %add3A_292 = arith.addf %add3A_286, %add3A_291 : vector<1x768xf32>
      %dot_general3A_293 = arith.constant dense<0.000000e+00> : vector<1x768xf32>
      %dot_general3A_294 = tpu.matmul %convert_element_type3A_268, %convert_element_type3A_274, %dot_general3A_293 {dimension_numbers = #tpu.dot_dimension_numbers<[1], [0], [0], [1], [0, 0, 1, 1], [], []>, transpose_lhs_hint = false} : vector<1x768xf32>, vector<768x768xf32>, vector<1x768xf32> -> vector<1x768xf32>
      %add3A_295 = arith.addf %add3A_292, %dot_general3A_294 : vector<1x768xf32>
      %add3A_296 = arith.addf %add3A_266, %add3A_295 : vector<1x768xf32>
      %mul3A_297 = arith.constant 9.99999974E-5 : f32
      %mul3A_298 = vector.broadcast %mul3A_297 : f32 to vector<1x768xf32>
      %mul3A_299 = arith.mulf %slice3A_147, %mul3A_298 : vector<1x768xf32>
      %convert_element_type3A_300 = arith.truncf %mul3A_299 : vector<1x768xf32> to vector<1x768xbf16>
      %convert_element_type3A_301 = arith.extf %convert_element_type3A_300 : vector<1x768xbf16> to vector<1x768xf32>
      %sub3A_302 = arith.subf %mul3A_299, %convert_element_type3A_301 : vector<1x768xf32>
      %convert_element_type3A_303 = arith.truncf %sub3A_302 : vector<1x768xf32> to vector<1x768xbf16>
      %convert_element_type3A_304 = arith.extf %convert_element_type3A_303 : vector<1x768xbf16> to vector<1x768xf32>
      %sub3A_305 = arith.subf %sub3A_302, %convert_element_type3A_304 : vector<1x768xf32>
      %convert_element_type3A_306 = arith.truncf %get3A_154 : vector<768x768xf32> to vector<768x768xbf16>
      %convert_element_type3A_307 = arith.extf %convert_element_type3A_306 : vector<768x768xbf16> to vector<768x768xf32>
      %sub3A_308 = arith.subf %get3A_154, %convert_element_type3A_307 : vector<768x768xf32>
      %convert_element_type3A_309 = arith.truncf %sub3A_308 : vector<768x768xf32> to vector<768x768xbf16>
      %convert_element_type3A_310 = arith.extf %convert_element_type3A_309 : vector<768x768xbf16> to vector<768x768xf32>
      %sub3A_311 = arith.subf %sub3A_308, %convert_element_type3A_310 : vector<768x768xf32>
      %dot_general3A_312 = arith.constant dense<0.000000e+00> : vector<1x768xf32>
      %dot_general3A_313 = tpu.matmul %convert_element_type3A_301, %sub3A_311, %dot_general3A_312 {dimension_numbers = #tpu.dot_dimension_numbers<[1], [0], [0], [1], [0, 0, 1, 1], [], []>, transpose_lhs_hint = false} : vector<1x768xf32>, vector<768x768xf32>, vector<1x768xf32> -> vector<1x768xf32>
      %dot_general3A_314 = arith.constant dense<0.000000e+00> : vector<1x768xf32>
      %dot_general3A_315 = tpu.matmul %sub3A_305, %convert_element_type3A_307, %dot_general3A_314 {dimension_numbers = #tpu.dot_dimension_numbers<[1], [0], [0], [1], [0, 0, 1, 1], [], []>, transpose_lhs_hint = false} : vector<1x768xf32>, vector<768x768xf32>, vector<1x768xf32> -> vector<1x768xf32>
      %add3A_316 = arith.addf %dot_general3A_313, %dot_general3A_315 : vector<1x768xf32>
      %dot_general3A_317 = arith.constant dense<0.000000e+00> : vector<1x768xf32>
      %dot_general3A_318 = tpu.matmul %convert_element_type3A_304, %convert_element_type3A_310, %dot_general3A_317 {dimension_numbers = #tpu.dot_dimension_numbers<[1], [0], [0], [1], [0, 0, 1, 1], [], []>, transpose_lhs_hint = false} : vector<1x768xf32>, vector<768x768xf32>, vector<1x768xf32> -> vector<1x768xf32>
      %add3A_319 = arith.addf %add3A_316, %dot_general3A_318 : vector<1x768xf32>
      %dot_general3A_320 = arith.constant dense<0.000000e+00> : vector<1x768xf32>
      %dot_general3A_321 = tpu.matmul %convert_element_type3A_301, %convert_element_type3A_310, %dot_general3A_320 {dimension_numbers = #tpu.dot_dimension_numbers<[1], [0], [0], [1], [0, 0, 1, 1], [], []>, transpose_lhs_hint = false} : vector<1x768xf32>, vector<768x768xf32>, vector<1x768xf32> -> vector<1x768xf32>
      %dot_general3A_322 = arith.constant dense<0.000000e+00> : vector<1x768xf32>
      %dot_general3A_323 = tpu.matmul %convert_element_type3A_304, %convert_element_type3A_307, %dot_general3A_322 {dimension_numbers = #tpu.dot_dimension_numbers<[1], [0], [0], [1], [0, 0, 1, 1], [], []>, transpose_lhs_hint = false} : vector<1x768xf32>, vector<768x768xf32>, vector<1x768xf32> -> vector<1x768xf32>
      %add3A_324 = arith.addf %dot_general3A_321, %dot_general3A_323 : vector<1x768xf32>
      %add3A_325 = arith.addf %add3A_319, %add3A_324 : vector<1x768xf32>
      %dot_general3A_326 = arith.constant dense<0.000000e+00> : vector<1x768xf32>
      %dot_general3A_327 = tpu.matmul %convert_element_type3A_301, %convert_element_type3A_307, %dot_general3A_326 {dimension_numbers = #tpu.dot_dimension_numbers<[1], [0], [0], [1], [0, 0, 1, 1], [], []>, transpose_lhs_hint = false} : vector<1x768xf32>, vector<768x768xf32>, vector<1x768xf32> -> vector<1x768xf32>
      %add3A_328 = arith.addf %add3A_325, %dot_general3A_327 : vector<1x768xf32>
      %add3A_329 = arith.addf %add3A_328, %get3A_160 : vector<1x768xf32>
      %mul3A_330 = arith.constant 9.99999974E-5 : f32
      %mul3A_331 = vector.broadcast %mul3A_330 : f32 to vector<1x768xf32>
      %mul3A_332 = arith.mulf %slice3A_148, %mul3A_331 : vector<1x768xf32>
      %convert_element_type3A_333 = arith.truncf %mul3A_332 : vector<1x768xf32> to vector<1x768xbf16>
      %convert_element_type3A_334 = arith.extf %convert_element_type3A_333 : vector<1x768xbf16> to vector<1x768xf32>
      %sub3A_335 = arith.subf %mul3A_332, %convert_element_type3A_334 : vector<1x768xf32>
      %convert_element_type3A_336 = arith.truncf %sub3A_335 : vector<1x768xf32> to vector<1x768xbf16>
      %convert_element_type3A_337 = arith.extf %convert_element_type3A_336 : vector<1x768xbf16> to vector<1x768xf32>
      %sub3A_338 = arith.subf %sub3A_335, %convert_element_type3A_337 : vector<1x768xf32>
      %convert_element_type3A_339 = arith.truncf %get3A_157 : vector<768x768xf32> to vector<768x768xbf16>
      %convert_element_type3A_340 = arith.extf %convert_element_type3A_339 : vector<768x768xbf16> to vector<768x768xf32>
      %sub3A_341 = arith.subf %get3A_157, %convert_element_type3A_340 : vector<768x768xf32>
      %convert_element_type3A_342 = arith.truncf %sub3A_341 : vector<768x768xf32> to vector<768x768xbf16>
      %convert_element_type3A_343 = arith.extf %convert_element_type3A_342 : vector<768x768xbf16> to vector<768x768xf32>
      %sub3A_344 = arith.subf %sub3A_341, %convert_element_type3A_343 : vector<768x768xf32>
      %dot_general3A_345 = arith.constant dense<0.000000e+00> : vector<1x768xf32>
      %dot_general3A_346 = tpu.matmul %convert_element_type3A_334, %sub3A_344, %dot_general3A_345 {dimension_numbers = #tpu.dot_dimension_numbers<[1], [0], [0], [1], [0, 0, 1, 1], [], []>, transpose_lhs_hint = false} : vector<1x768xf32>, vector<768x768xf32>, vector<1x768xf32> -> vector<1x768xf32>
      %dot_general3A_347 = arith.constant dense<0.000000e+00> : vector<1x768xf32>
      %dot_general3A_348 = tpu.matmul %sub3A_338, %convert_element_type3A_340, %dot_general3A_347 {dimension_numbers = #tpu.dot_dimension_numbers<[1], [0], [0], [1], [0, 0, 1, 1], [], []>, transpose_lhs_hint = false} : vector<1x768xf32>, vector<768x768xf32>, vector<1x768xf32> -> vector<1x768xf32>
      %add3A_349 = arith.addf %dot_general3A_346, %dot_general3A_348 : vector<1x768xf32>
      %dot_general3A_350 = arith.constant dense<0.000000e+00> : vector<1x768xf32>
      %dot_general3A_351 = tpu.matmul %convert_element_type3A_337, %convert_element_type3A_343, %dot_general3A_350 {dimension_numbers = #tpu.dot_dimension_numbers<[1], [0], [0], [1], [0, 0, 1, 1], [], []>, transpose_lhs_hint = false} : vector<1x768xf32>, vector<768x768xf32>, vector<1x768xf32> -> vector<1x768xf32>
      %add3A_352 = arith.addf %add3A_349, %dot_general3A_351 : vector<1x768xf32>
      %dot_general3A_353 = arith.constant dense<0.000000e+00> : vector<1x768xf32>
      %dot_general3A_354 = tpu.matmul %convert_element_type3A_334, %convert_element_type3A_343, %dot_general3A_353 {dimension_numbers = #tpu.dot_dimension_numbers<[1], [0], [0], [1], [0, 0, 1, 1], [], []>, transpose_lhs_hint = false} : vector<1x768xf32>, vector<768x768xf32>, vector<1x768xf32> -> vector<1x768xf32>
      %dot_general3A_355 = arith.constant dense<0.000000e+00> : vector<1x768xf32>
      %dot_general3A_356 = tpu.matmul %convert_element_type3A_337, %convert_element_type3A_340, %dot_general3A_355 {dimension_numbers = #tpu.dot_dimension_numbers<[1], [0], [0], [1], [0, 0, 1, 1], [], []>, transpose_lhs_hint = false} : vector<1x768xf32>, vector<768x768xf32>, vector<1x768xf32> -> vector<1x768xf32>
      %add3A_357 = arith.addf %dot_general3A_354, %dot_general3A_356 : vector<1x768xf32>
      %add3A_358 = arith.addf %add3A_352, %add3A_357 : vector<1x768xf32>
      %dot_general3A_359 = arith.constant dense<0.000000e+00> : vector<1x768xf32>
      %dot_general3A_360 = tpu.matmul %convert_element_type3A_334, %convert_element_type3A_340, %dot_general3A_359 {dimension_numbers = #tpu.dot_dimension_numbers<[1], [0], [0], [1], [0, 0, 1, 1], [], []>, transpose_lhs_hint = false} : vector<1x768xf32>, vector<768x768xf32>, vector<1x768xf32> -> vector<1x768xf32>
      %add3A_361 = arith.addf %add3A_358, %dot_general3A_360 : vector<1x768xf32>
      %add3A_362 = arith.addf %add3A_329, %add3A_361 : vector<1x768xf32>
      %get3A_363 = arith.constant 0 : index
      %get3A_364 = arith.constant 0 : index
      %get3A_365 = arith.constant 0 : index
      %get3A_366 = vector.load %arg12[%get3A_363, %get3A_364, %get3A_365] : memref<3x768x768xf32, #tpu.memory_space<vmem>>, vector<1x768x768xf32>
      %get3A_367 = vector.shape_cast %get3A_366 : vector<1x768x768xf32> to vector<768x768xf32>
      %convert_element_type3A_368 = arith.truncf %add3A_234 : vector<1x768xf32> to vector<1x768xbf16>
      %convert_element_type3A_369 = arith.extf %convert_element_type3A_368 : vector<1x768xbf16> to vector<1x768xf32>
      %sub3A_370 = arith.subf %add3A_234, %convert_element_type3A_369 : vector<1x768xf32>
      %convert_element_type3A_371 = arith.truncf %sub3A_370 : vector<1x768xf32> to vector<1x768xbf16>
      %convert_element_type3A_372 = arith.extf %convert_element_type3A_371 : vector<1x768xbf16> to vector<1x768xf32>
      %sub3A_373 = arith.subf %sub3A_370, %convert_element_type3A_372 : vector<1x768xf32>
      %convert_element_type3A_374 = arith.truncf %get3A_367 : vector<768x768xf32> to vector<768x768xbf16>
      %convert_element_type3A_375 = arith.extf %convert_element_type3A_374 : vector<768x768xbf16> to vector<768x768xf32>
      %sub3A_376 = arith.subf %get3A_367, %convert_element_type3A_375 : vector<768x768xf32>
      %convert_element_type3A_377 = arith.truncf %sub3A_376 : vector<768x768xf32> to vector<768x768xbf16>
      %convert_element_type3A_378 = arith.extf %convert_element_type3A_377 : vector<768x768xbf16> to vector<768x768xf32>
      %sub3A_379 = arith.subf %sub3A_376, %convert_element_type3A_378 : vector<768x768xf32>
      %dot_general3A_380 = arith.constant dense<0.000000e+00> : vector<1x768xf32>
      %dot_general3A_381 = tpu.matmul %convert_element_type3A_369, %sub3A_379, %dot_general3A_380 {dimension_numbers = #tpu.dot_dimension_numbers<[1], [0], [0], [1], [0, 0, 1, 1], [], []>, transpose_lhs_hint = false} : vector<1x768xf32>, vector<768x768xf32>, vector<1x768xf32> -> vector<1x768xf32>
      %dot_general3A_382 = arith.constant dense<0.000000e+00> : vector<1x768xf32>
      %dot_general3A_383 = tpu.matmul %sub3A_373, %convert_element_type3A_375, %dot_general3A_382 {dimension_numbers = #tpu.dot_dimension_numbers<[1], [0], [0], [1], [0, 0, 1, 1], [], []>, transpose_lhs_hint = false} : vector<1x768xf32>, vector<768x768xf32>, vector<1x768xf32> -> vector<1x768xf32>
      %add3A_384 = arith.addf %dot_general3A_381, %dot_general3A_383 : vector<1x768xf32>
      %dot_general3A_385 = arith.constant dense<0.000000e+00> : vector<1x768xf32>
      %dot_general3A_386 = tpu.matmul %convert_element_type3A_372, %convert_element_type3A_378, %dot_general3A_385 {dimension_numbers = #tpu.dot_dimension_numbers<[1], [0], [0], [1], [0, 0, 1, 1], [], []>, transpose_lhs_hint = false} : vector<1x768xf32>, vector<768x768xf32>, vector<1x768xf32> -> vector<1x768xf32>
      %add3A_387 = arith.addf %add3A_384, %dot_general3A_386 : vector<1x768xf32>
      %dot_general3A_388 = arith.constant dense<0.000000e+00> : vector<1x768xf32>
      %dot_general3A_389 = tpu.matmul %convert_element_type3A_369, %convert_element_type3A_378, %dot_general3A_388 {dimension_numbers = #tpu.dot_dimension_numbers<[1], [0], [0], [1], [0, 0, 1, 1], [], []>, transpose_lhs_hint = false} : vector<1x768xf32>, vector<768x768xf32>, vector<1x768xf32> -> vector<1x768xf32>
      %dot_general3A_390 = arith.constant dense<0.000000e+00> : vector<1x768xf32>
      %dot_general3A_391 = tpu.matmul %convert_element_type3A_372, %convert_element_type3A_375, %dot_general3A_390 {dimension_numbers = #tpu.dot_dimension_numbers<[1], [0], [0], [1], [0, 0, 1, 1], [], []>, transpose_lhs_hint = false} : vector<1x768xf32>, vector<768x768xf32>, vector<1x768xf32> -> vector<1x768xf32>
      %add3A_392 = arith.addf %dot_general3A_389, %dot_general3A_391 : vector<1x768xf32>
      %add3A_393 = arith.addf %add3A_387, %add3A_392 : vector<1x768xf32>
      %dot_general3A_394 = arith.constant dense<0.000000e+00> : vector<1x768xf32>
      %dot_general3A_395 = tpu.matmul %convert_element_type3A_369, %convert_element_type3A_375, %dot_general3A_394 {dimension_numbers = #tpu.dot_dimension_numbers<[1], [0], [0], [1], [0, 0, 1, 1], [], []>, transpose_lhs_hint = false} : vector<1x768xf32>, vector<768x768xf32>, vector<1x768xf32> -> vector<1x768xf32>
      %add3A_396 = arith.addf %add3A_393, %dot_general3A_395 : vector<1x768xf32>
      %get3A_397 = arith.constant 1 : index
      %get3A_398 = arith.constant 0 : index
      %get3A_399 = arith.constant 0 : index
      %get3A_400 = vector.load %arg12[%get3A_397, %get3A_398, %get3A_399] : memref<3x768x768xf32, #tpu.memory_space<vmem>>, vector<1x768x768xf32>
      %get3A_401 = vector.shape_cast %get3A_400 : vector<1x768x768xf32> to vector<768x768xf32>
      %convert_element_type3A_402 = arith.truncf %add3A_296 : vector<1x768xf32> to vector<1x768xbf16>
      %convert_element_type3A_403 = arith.extf %convert_element_type3A_402 : vector<1x768xbf16> to vector<1x768xf32>
      %sub3A_404 = arith.subf %add3A_296, %convert_element_type3A_403 : vector<1x768xf32>
      %convert_element_type3A_405 = arith.truncf %sub3A_404 : vector<1x768xf32> to vector<1x768xbf16>
      %convert_element_type3A_406 = arith.extf %convert_element_type3A_405 : vector<1x768xbf16> to vector<1x768xf32>
      %sub3A_407 = arith.subf %sub3A_404, %convert_element_type3A_406 : vector<1x768xf32>
      %convert_element_type3A_408 = arith.truncf %get3A_401 : vector<768x768xf32> to vector<768x768xbf16>
      %convert_element_type3A_409 = arith.extf %convert_element_type3A_408 : vector<768x768xbf16> to vector<768x768xf32>
      %sub3A_410 = arith.subf %get3A_401, %convert_element_type3A_409 : vector<768x768xf32>
      %convert_element_type3A_411 = arith.truncf %sub3A_410 : vector<768x768xf32> to vector<768x768xbf16>
      %convert_element_type3A_412 = arith.extf %convert_element_type3A_411 : vector<768x768xbf16> to vector<768x768xf32>
      %sub3A_413 = arith.subf %sub3A_410, %convert_element_type3A_412 : vector<768x768xf32>
      %dot_general3A_414 = arith.constant dense<0.000000e+00> : vector<1x768xf32>
      %dot_general3A_415 = tpu.matmul %convert_element_type3A_403, %sub3A_413, %dot_general3A_414 {dimension_numbers = #tpu.dot_dimension_numbers<[1], [0], [0], [1], [0, 0, 1, 1], [], []>, transpose_lhs_hint = false} : vector<1x768xf32>, vector<768x768xf32>, vector<1x768xf32> -> vector<1x768xf32>
      %dot_general3A_416 = arith.constant dense<0.000000e+00> : vector<1x768xf32>
      %dot_general3A_417 = tpu.matmul %sub3A_407, %convert_element_type3A_409, %dot_general3A_416 {dimension_numbers = #tpu.dot_dimension_numbers<[1], [0], [0], [1], [0, 0, 1, 1], [], []>, transpose_lhs_hint = false} : vector<1x768xf32>, vector<768x768xf32>, vector<1x768xf32> -> vector<1x768xf32>
      %add3A_418 = arith.addf %dot_general3A_415, %dot_general3A_417 : vector<1x768xf32>
      %dot_general3A_419 = arith.constant dense<0.000000e+00> : vector<1x768xf32>
      %dot_general3A_420 = tpu.matmul %convert_element_type3A_406, %convert_element_type3A_412, %dot_general3A_419 {dimension_numbers = #tpu.dot_dimension_numbers<[1], [0], [0], [1], [0, 0, 1, 1], [], []>, transpose_lhs_hint = false} : vector<1x768xf32>, vector<768x768xf32>, vector<1x768xf32> -> vector<1x768xf32>
      %add3A_421 = arith.addf %add3A_418, %dot_general3A_420 : vector<1x768xf32>
      %dot_general3A_422 = arith.constant dense<0.000000e+00> : vector<1x768xf32>
      %dot_general3A_423 = tpu.matmul %convert_element_type3A_403, %convert_element_type3A_412, %dot_general3A_422 {dimension_numbers = #tpu.dot_dimension_numbers<[1], [0], [0], [1], [0, 0, 1, 1], [], []>, transpose_lhs_hint = false} : vector<1x768xf32>, vector<768x768xf32>, vector<1x768xf32> -> vector<1x768xf32>
      %dot_general3A_424 = arith.constant dense<0.000000e+00> : vector<1x768xf32>
      %dot_general3A_425 = tpu.matmul %convert_element_type3A_406, %convert_element_type3A_409, %dot_general3A_424 {dimension_numbers = #tpu.dot_dimension_numbers<[1], [0], [0], [1], [0, 0, 1, 1], [], []>, transpose_lhs_hint = false} : vector<1x768xf32>, vector<768x768xf32>, vector<1x768xf32> -> vector<1x768xf32>
      %add3A_426 = arith.addf %dot_general3A_423, %dot_general3A_425 : vector<1x768xf32>
      %add3A_427 = arith.addf %add3A_421, %add3A_426 : vector<1x768xf32>
      %dot_general3A_428 = arith.constant dense<0.000000e+00> : vector<1x768xf32>
      %dot_general3A_429 = tpu.matmul %convert_element_type3A_403, %convert_element_type3A_409, %dot_general3A_428 {dimension_numbers = #tpu.dot_dimension_numbers<[1], [0], [0], [1], [0, 0, 1, 1], [], []>, transpose_lhs_hint = false} : vector<1x768xf32>, vector<768x768xf32>, vector<1x768xf32> -> vector<1x768xf32>
      %add3A_430 = arith.addf %add3A_427, %dot_general3A_429 : vector<1x768xf32>
      %add3A_431 = arith.addf %add3A_396, %add3A_430 : vector<1x768xf32>
      %mul3A_432 = arith.mulf %add3A_234, %add3A_296 : vector<1x768xf32>
      %get3A_433 = arith.constant 2 : index
      %get3A_434 = arith.constant 0 : index
      %get3A_435 = arith.constant 0 : index
      %get3A_436 = vector.load %arg12[%get3A_433, %get3A_434, %get3A_435] : memref<3x768x768xf32, #tpu.memory_space<vmem>>, vector<1x768x768xf32>
      %get3A_437 = vector.shape_cast %get3A_436 : vector<1x768x768xf32> to vector<768x768xf32>
      %convert_element_type3A_438 = arith.truncf %mul3A_432 : vector<1x768xf32> to vector<1x768xbf16>
      %convert_element_type3A_439 = arith.extf %convert_element_type3A_438 : vector<1x768xbf16> to vector<1x768xf32>
      %sub3A_440 = arith.subf %mul3A_432, %convert_element_type3A_439 : vector<1x768xf32>
      %convert_element_type3A_441 = arith.truncf %sub3A_440 : vector<1x768xf32> to vector<1x768xbf16>
      %convert_element_type3A_442 = arith.extf %convert_element_type3A_441 : vector<1x768xbf16> to vector<1x768xf32>
      %sub3A_443 = arith.subf %sub3A_440, %convert_element_type3A_442 : vector<1x768xf32>
      %convert_element_type3A_444 = arith.truncf %get3A_437 : vector<768x768xf32> to vector<768x768xbf16>
      %convert_element_type3A_445 = arith.extf %convert_element_type3A_444 : vector<768x768xbf16> to vector<768x768xf32>
      %sub3A_446 = arith.subf %get3A_437, %convert_element_type3A_445 : vector<768x768xf32>
      %convert_element_type3A_447 = arith.truncf %sub3A_446 : vector<768x768xf32> to vector<768x768xbf16>
      %convert_element_type3A_448 = arith.extf %convert_element_type3A_447 : vector<768x768xbf16> to vector<768x768xf32>
      %sub3A_449 = arith.subf %sub3A_446, %convert_element_type3A_448 : vector<768x768xf32>
      %dot_general3A_450 = arith.constant dense<0.000000e+00> : vector<1x768xf32>
      %dot_general3A_451 = tpu.matmul %convert_element_type3A_439, %sub3A_449, %dot_general3A_450 {dimension_numbers = #tpu.dot_dimension_numbers<[1], [0], [0], [1], [0, 0, 1, 1], [], []>, transpose_lhs_hint = false} : vector<1x768xf32>, vector<768x768xf32>, vector<1x768xf32> -> vector<1x768xf32>
      %dot_general3A_452 = arith.constant dense<0.000000e+00> : vector<1x768xf32>
      %dot_general3A_453 = tpu.matmul %sub3A_443, %convert_element_type3A_445, %dot_general3A_452 {dimension_numbers = #tpu.dot_dimension_numbers<[1], [0], [0], [1], [0, 0, 1, 1], [], []>, transpose_lhs_hint = false} : vector<1x768xf32>, vector<768x768xf32>, vector<1x768xf32> -> vector<1x768xf32>
      %add3A_454 = arith.addf %dot_general3A_451, %dot_general3A_453 : vector<1x768xf32>
      %dot_general3A_455 = arith.constant dense<0.000000e+00> : vector<1x768xf32>
      %dot_general3A_456 = tpu.matmul %convert_element_type3A_442, %convert_element_type3A_448, %dot_general3A_455 {dimension_numbers = #tpu.dot_dimension_numbers<[1], [0], [0], [1], [0, 0, 1, 1], [], []>, transpose_lhs_hint = false} : vector<1x768xf32>, vector<768x768xf32>, vector<1x768xf32> -> vector<1x768xf32>
      %add3A_457 = arith.addf %add3A_454, %dot_general3A_456 : vector<1x768xf32>
      %dot_general3A_458 = arith.constant dense<0.000000e+00> : vector<1x768xf32>
      %dot_general3A_459 = tpu.matmul %convert_element_type3A_439, %convert_element_type3A_448, %dot_general3A_458 {dimension_numbers = #tpu.dot_dimension_numbers<[1], [0], [0], [1], [0, 0, 1, 1], [], []>, transpose_lhs_hint = false} : vector<1x768xf32>, vector<768x768xf32>, vector<1x768xf32> -> vector<1x768xf32>
      %dot_general3A_460 = arith.constant dense<0.000000e+00> : vector<1x768xf32>
      %dot_general3A_461 = tpu.matmul %convert_element_type3A_442, %convert_element_type3A_445, %dot_general3A_460 {dimension_numbers = #tpu.dot_dimension_numbers<[1], [0], [0], [1], [0, 0, 1, 1], [], []>, transpose_lhs_hint = false} : vector<1x768xf32>, vector<768x768xf32>, vector<1x768xf32> -> vector<1x768xf32>
      %add3A_462 = arith.addf %dot_general3A_459, %dot_general3A_461 : vector<1x768xf32>
      %add3A_463 = arith.addf %add3A_457, %add3A_462 : vector<1x768xf32>
      %dot_general3A_464 = arith.constant dense<0.000000e+00> : vector<1x768xf32>
      %dot_general3A_465 = tpu.matmul %convert_element_type3A_439, %convert_element_type3A_445, %dot_general3A_464 {dimension_numbers = #tpu.dot_dimension_numbers<[1], [0], [0], [1], [0, 0, 1, 1], [], []>, transpose_lhs_hint = false} : vector<1x768xf32>, vector<768x768xf32>, vector<1x768xf32> -> vector<1x768xf32>
      %add3A_466 = arith.addf %add3A_463, %dot_general3A_465 : vector<1x768xf32>
      %add3A_467 = arith.addf %add3A_431, %add3A_466 : vector<1x768xf32>
      %get3A_468 = arith.constant 0 : index
      %get3A_469 = arith.constant 0 : index
      %get3A_470 = vector.load %arg13[%get3A_468, %get3A_469] : memref<1x768xf32, #tpu.memory_space<vmem>>, vector<1x768xf32>
      %add3A_471 = arith.addf %add3A_467, %get3A_470 : vector<1x768xf32>
      %get3A_472 = arith.constant 0 : index
      %get3A_473 = arith.constant 0 : index
      %get3A_474 = vector.load %arg16[%get3A_472, %get3A_473] : memref<1x16xf32, #tpu.memory_space<vmem>>, vector<1x16xf32>
      %get3A_475 = arith.constant 0 : index
      %get3A_476 = arith.constant 0 : index
      %get3A_477 = vector.load %arg14[%get3A_475, %get3A_476] : memref<16x768xf32, #tpu.memory_space<vmem>>, vector<16x768xf32>
      %convert_element_type3A_478 = arith.truncf %get3A_474 : vector<1x16xf32> to vector<1x16xbf16>
      %convert_element_type3A_479 = arith.extf %convert_element_type3A_478 : vector<1x16xbf16> to vector<1x16xf32>
      %sub3A_480 = arith.subf %get3A_474, %convert_element_type3A_479 : vector<1x16xf32>
      %convert_element_type3A_481 = arith.truncf %sub3A_480 : vector<1x16xf32> to vector<1x16xbf16>
      %convert_element_type3A_482 = arith.extf %convert_element_type3A_481 : vector<1x16xbf16> to vector<1x16xf32>
      %sub3A_483 = arith.subf %sub3A_480, %convert_element_type3A_482 : vector<1x16xf32>
      %convert_element_type3A_484 = arith.truncf %get3A_477 : vector<16x768xf32> to vector<16x768xbf16>
      %convert_element_type3A_485 = arith.extf %convert_element_type3A_484 : vector<16x768xbf16> to vector<16x768xf32>
      %sub3A_486 = arith.subf %get3A_477, %convert_element_type3A_485 : vector<16x768xf32>
      %convert_element_type3A_487 = arith.truncf %sub3A_486 : vector<16x768xf32> to vector<16x768xbf16>
      %convert_element_type3A_488 = arith.extf %convert_element_type3A_487 : vector<16x768xbf16> to vector<16x768xf32>
      %sub3A_489 = arith.subf %sub3A_486, %convert_element_type3A_488 : vector<16x768xf32>
      %dot_general3A_490 = arith.constant dense<0.000000e+00> : vector<1x768xf32>
      %dot_general3A_491 = tpu.matmul %convert_element_type3A_479, %sub3A_489, %dot_general3A_490 {dimension_numbers = #tpu.dot_dimension_numbers<[1], [0], [0], [1], [0, 0, 1, 1], [], []>, transpose_lhs_hint = false} : vector<1x16xf32>, vector<16x768xf32>, vector<1x768xf32> -> vector<1x768xf32>
      %dot_general3A_492 = arith.constant dense<0.000000e+00> : vector<1x768xf32>
      %dot_general3A_493 = tpu.matmul %sub3A_483, %convert_element_type3A_485, %dot_general3A_492 {dimension_numbers = #tpu.dot_dimension_numbers<[1], [0], [0], [1], [0, 0, 1, 1], [], []>, transpose_lhs_hint = false} : vector<1x16xf32>, vector<16x768xf32>, vector<1x768xf32> -> vector<1x768xf32>
      %add3A_494 = arith.addf %dot_general3A_491, %dot_general3A_493 : vector<1x768xf32>
      %dot_general3A_495 = arith.constant dense<0.000000e+00> : vector<1x768xf32>
      %dot_general3A_496 = tpu.matmul %convert_element_type3A_482, %convert_element_type3A_488, %dot_general3A_495 {dimension_numbers = #tpu.dot_dimension_numbers<[1], [0], [0], [1], [0, 0, 1, 1], [], []>, transpose_lhs_hint = false} : vector<1x16xf32>, vector<16x768xf32>, vector<1x768xf32> -> vector<1x768xf32>
      %add3A_497 = arith.addf %add3A_494, %dot_general3A_496 : vector<1x768xf32>
      %dot_general3A_498 = arith.constant dense<0.000000e+00> : vector<1x768xf32>
      %dot_general3A_499 = tpu.matmul %convert_element_type3A_479, %convert_element_type3A_488, %dot_general3A_498 {dimension_numbers = #tpu.dot_dimension_numbers<[1], [0], [0], [1], [0, 0, 1, 1], [], []>, transpose_lhs_hint = false} : vector<1x16xf32>, vector<16x768xf32>, vector<1x768xf32> -> vector<1x768xf32>
      %dot_general3A_500 = arith.constant dense<0.000000e+00> : vector<1x768xf32>
      %dot_general3A_501 = tpu.matmul %convert_element_type3A_482, %convert_element_type3A_485, %dot_general3A_500 {dimension_numbers = #tpu.dot_dimension_numbers<[1], [0], [0], [1], [0, 0, 1, 1], [], []>, transpose_lhs_hint = false} : vector<1x16xf32>, vector<16x768xf32>, vector<1x768xf32> -> vector<1x768xf32>
      %add3A_502 = arith.addf %dot_general3A_499, %dot_general3A_501 : vector<1x768xf32>
      %add3A_503 = arith.addf %add3A_497, %add3A_502 : vector<1x768xf32>
      %dot_general3A_504 = arith.constant dense<0.000000e+00> : vector<1x768xf32>
      %dot_general3A_505 = tpu.matmul %convert_element_type3A_479, %convert_element_type3A_485, %dot_general3A_504 {dimension_numbers = #tpu.dot_dimension_numbers<[1], [0], [0], [1], [0, 0, 1, 1], [], []>, transpose_lhs_hint = false} : vector<1x16xf32>, vector<16x768xf32>, vector<1x768xf32> -> vector<1x768xf32>
      %add3A_506 = arith.addf %add3A_503, %dot_general3A_505 : vector<1x768xf32>
      %get3A_507 = arith.constant 0 : index
      %get3A_508 = arith.constant 0 : index
      %get3A_509 = vector.load %arg15[%get3A_507, %get3A_508] : memref<16x768xf32, #tpu.memory_space<vmem>>, vector<16x768xf32>
      %convert_element_type3A_510 = arith.truncf %get3A_474 : vector<1x16xf32> to vector<1x16xbf16>
      %convert_element_type3A_511 = arith.extf %convert_element_type3A_510 : vector<1x16xbf16> to vector<1x16xf32>
      %sub3A_512 = arith.subf %get3A_474, %convert_element_type3A_511 : vector<1x16xf32>
      %convert_element_type3A_513 = arith.truncf %sub3A_512 : vector<1x16xf32> to vector<1x16xbf16>
      %convert_element_type3A_514 = arith.extf %convert_element_type3A_513 : vector<1x16xbf16> to vector<1x16xf32>
      %sub3A_515 = arith.subf %sub3A_512, %convert_element_type3A_514 : vector<1x16xf32>
      %convert_element_type3A_516 = arith.truncf %get3A_509 : vector<16x768xf32> to vector<16x768xbf16>
      %convert_element_type3A_517 = arith.extf %convert_element_type3A_516 : vector<16x768xbf16> to vector<16x768xf32>
      %sub3A_518 = arith.subf %get3A_509, %convert_element_type3A_517 : vector<16x768xf32>
      %convert_element_type3A_519 = arith.truncf %sub3A_518 : vector<16x768xf32> to vector<16x768xbf16>
      %convert_element_type3A_520 = arith.extf %convert_element_type3A_519 : vector<16x768xbf16> to vector<16x768xf32>
      %sub3A_521 = arith.subf %sub3A_518, %convert_element_type3A_520 : vector<16x768xf32>
      %dot_general3A_522 = arith.constant dense<0.000000e+00> : vector<1x768xf32>
      %dot_general3A_523 = tpu.matmul %convert_element_type3A_511, %sub3A_521, %dot_general3A_522 {dimension_numbers = #tpu.dot_dimension_numbers<[1], [0], [0], [1], [0, 0, 1, 1], [], []>, transpose_lhs_hint = false} : vector<1x16xf32>, vector<16x768xf32>, vector<1x768xf32> -> vector<1x768xf32>
      %dot_general3A_524 = arith.constant dense<0.000000e+00> : vector<1x768xf32>
      %dot_general3A_525 = tpu.matmul %sub3A_515, %convert_element_type3A_517, %dot_general3A_524 {dimension_numbers = #tpu.dot_dimension_numbers<[1], [0], [0], [1], [0, 0, 1, 1], [], []>, transpose_lhs_hint = false} : vector<1x16xf32>, vector<16x768xf32>, vector<1x768xf32> -> vector<1x768xf32>
      %add3A_526 = arith.addf %dot_general3A_523, %dot_general3A_525 : vector<1x768xf32>
      %dot_general3A_527 = arith.constant dense<0.000000e+00> : vector<1x768xf32>
      %dot_general3A_528 = tpu.matmul %convert_element_type3A_514, %convert_element_type3A_520, %dot_general3A_527 {dimension_numbers = #tpu.dot_dimension_numbers<[1], [0], [0], [1], [0, 0, 1, 1], [], []>, transpose_lhs_hint = false} : vector<1x16xf32>, vector<16x768xf32>, vector<1x768xf32> -> vector<1x768xf32>
      %add3A_529 = arith.addf %add3A_526, %dot_general3A_528 : vector<1x768xf32>
      %dot_general3A_530 = arith.constant dense<0.000000e+00> : vector<1x768xf32>
      %dot_general3A_531 = tpu.matmul %convert_element_type3A_511, %convert_element_type3A_520, %dot_general3A_530 {dimension_numbers = #tpu.dot_dimension_numbers<[1], [0], [0], [1], [0, 0, 1, 1], [], []>, transpose_lhs_hint = false} : vector<1x16xf32>, vector<16x768xf32>, vector<1x768xf32> -> vector<1x768xf32>
      %dot_general3A_532 = arith.constant dense<0.000000e+00> : vector<1x768xf32>
      %dot_general3A_533 = tpu.matmul %convert_element_type3A_514, %convert_element_type3A_517, %dot_general3A_532 {dimension_numbers = #tpu.dot_dimension_numbers<[1], [0], [0], [1], [0, 0, 1, 1], [], []>, transpose_lhs_hint = false} : vector<1x16xf32>, vector<16x768xf32>, vector<1x768xf32> -> vector<1x768xf32>
      %add3A_534 = arith.addf %dot_general3A_531, %dot_general3A_533 : vector<1x768xf32>
      %add3A_535 = arith.addf %add3A_529, %add3A_534 : vector<1x768xf32>
      %dot_general3A_536 = arith.constant dense<0.000000e+00> : vector<1x768xf32>
      %dot_general3A_537 = tpu.matmul %convert_element_type3A_511, %convert_element_type3A_517, %dot_general3A_536 {dimension_numbers = #tpu.dot_dimension_numbers<[1], [0], [0], [1], [0, 0, 1, 1], [], []>, transpose_lhs_hint = false} : vector<1x16xf32>, vector<16x768xf32>, vector<1x768xf32> -> vector<1x768xf32>
      %add3A_538 = arith.addf %add3A_535, %dot_general3A_537 : vector<1x768xf32>
      %mul3A_539 = arith.mulf %add3A_471, %add3A_506 : vector<1x768xf32>
      %add3A_540 = arith.addf %add3A_362, %add3A_538 : vector<1x768xf32>
      %mul3A_541 = arith.mulf %mul3A_539, %mul3A_539 : vector<1x768xf32>
      %reduce_sum3A = arith.constant dense<0.000000e+00> : vector<1xf32>
      %reduce_sum3A_542 = vector.multi_reduction <add>, %mul3A_541, %reduce_sum3A [1] : vector<1x768xf32> to vector<1xf32>
      %broadcast_in_dim3A_543 = vector.shape_cast %reduce_sum3A_542 : vector<1xf32> to vector<1x1xf32>
      %sqrt3A = math.sqrt %broadcast_in_dim3A_543 : vector<1x1xf32>
      %max3A_544 = arith.constant 9.99999993E-9 : f32
      %max3A_545 = vector.broadcast %max3A_544 : f32 to vector<1x1xf32>
      %max3A_546 = arith.maximumf %sqrt3A, %max3A_545 : vector<1x1xf32>
      %mul3A_547 = arith.mulf %add3A_540, %add3A_540 : vector<1x768xf32>
      %reduce_sum3A_548 = arith.constant dense<0.000000e+00> : vector<1xf32>
      %reduce_sum3A_549 = vector.multi_reduction <add>, %mul3A_547, %reduce_sum3A_548 [1] : vector<1x768xf32> to vector<1xf32>
      %broadcast_in_dim3A_550 = vector.shape_cast %reduce_sum3A_549 : vector<1xf32> to vector<1x1xf32>
      %sqrt3A_551 = math.sqrt %broadcast_in_dim3A_550 : vector<1x1xf32>
      %max3A_552 = arith.constant 9.99999993E-9 : f32
      %max3A_553 = vector.broadcast %max3A_552 : f32 to vector<1x1xf32>
      %max3A_554 = arith.maximumf %sqrt3A_551, %max3A_553 : vector<1x1xf32>
      %mul3A_555 = arith.mulf %max3A_546, %max3A_554 : vector<1x1xf32>
      %div3A_556 = arith.constant 1.000000e+00 : f32
      %div3A_557 = vector.broadcast %div3A_556 : f32 to vector<1x1xf32>
      %div3A_558 = arith.divf %div3A_557, %mul3A_555 : vector<1x1xf32>
      %mul3A_559 = arith.mulf %mul3A_555, %div3A_558 : vector<1x1xf32>
      %sub3A_560 = arith.constant 2.000000e+00 : f32
      %sub3A_561 = vector.broadcast %sub3A_560 : f32 to vector<1x1xf32>
      %sub3A_562 = arith.subf %sub3A_561, %mul3A_559 : vector<1x1xf32>
      %mul3A_563 = arith.mulf %div3A_558, %sub3A_562 : vector<1x1xf32>
      %mul3A_564 = arith.mulf %mul3A_539, %add3A_540 : vector<1x768xf32>
      %reduce_sum3A_565 = arith.constant dense<0.000000e+00> : vector<1xf32>
      %reduce_sum3A_566 = vector.multi_reduction <add>, %mul3A_564, %reduce_sum3A_565 [1] : vector<1x768xf32> to vector<1xf32>
      %broadcast_in_dim3A_567 = vector.shape_cast %reduce_sum3A_566 : vector<1xf32> to vector<1x1xf32>
      %mul3A_568 = arith.mulf %broadcast_in_dim3A_567, %mul3A_563 : vector<1x1xf32>
      %get3A_569 = arith.constant 0 : index
      %get3A_570 = arith.constant 0 : index
      %get3A_571 = vector.load %arg17[%get3A_569, %get3A_570] : memref<1x1xf32, #tpu.memory_space<vmem>>, vector<1x1xf32>
      %sub3A_572 = arith.subf %mul3A_568, %get3A_571 : vector<1x1xf32>
      %integer_pow3A = arith.mulf %sub3A_572, %sub3A_572 : vector<1x1xf32>
      %swap3A_573 = arith.constant 0 : index
      %swap3A_574 = arith.constant 0 : index
      %swap3A_575 = vector.load %arg19[%swap3A_573, %swap3A_574] : memref<1x1xf32, #tpu.memory_space<vmem>>, vector<1x1xf32>
      tpu.vector_store %arg19[%swap3A_573, %swap3A_574], %integer_pow3A {strides = array<i32>} : memref<1x1xf32, #tpu.memory_space<vmem>>, vector<1x1xf32>,
      %swap3A_576 = arith.constant 0 : index
      %swap3A_577 = arith.constant 0 : index
      %swap3A_578 = vector.load %arg20[%swap3A_576, %swap3A_577] : memref<1x1xf32, #tpu.memory_space<vmem>>, vector<1x1xf32>
      tpu.vector_store %arg20[%swap3A_576, %swap3A_577], %mul3A_568 {strides = array<i32>} : memref<1x1xf32, #tpu.memory_space<vmem>>, vector<1x1xf32>,
      %swap3A_579 = arith.constant 0 : index
      %swap3A_580 = arith.constant 0 : index
      %swap3A_581 = vector.load %arg21[%swap3A_579, %swap3A_580] : memref<1x768xf32, #tpu.memory_space<vmem>>, vector<1x768xf32>
      tpu.vector_store %arg21[%swap3A_579, %swap3A_580], %mul3A_539 {strides = array<i32>} : memref<1x768xf32, #tpu.memory_space<vmem>>, vector<1x768xf32>,
    } else {
    }
    return
  }
  func.func @transform_0(%arg0: i32) -> (i32, i32, i32) {
    %c0_i32 = arith.constant 0 : i32
    %c0_i32_0 = arith.constant 0 : i32
    %c0_i32_1 = arith.constant 0 : i32
    return %arg0, %c0_i32, %c0_i32_0 : i32, i32, i32
  }
  func.func @transform_1(%arg0: i32) -> (i32, i32, i32) {
    %c0_i32 = arith.constant 0 : i32
    %c0_i32_0 = arith.constant 0 : i32
    %c0_i32_1 = arith.constant 0 : i32
    return %arg0, %c0_i32, %c0_i32_0 : i32, i32, i32
  }
  func.func @transform_2(%arg0: i32) -> (i32, i32, i32) {
    %c0_i32 = arith.constant 0 : i32
    %c0_i32_0 = arith.constant 0 : i32
    %c0_i32_1 = arith.constant 0 : i32
    return %arg0, %c0_i32, %c0_i32_0 : i32, i32, i32
  }
  func.func @transform_3(%arg0: i32) -> (i32, i32, i32) {
    %c0_i32 = arith.constant 0 : i32
    %c0_i32_0 = arith.constant 0 : i32
    %c0_i32_1 = arith.constant 0 : i32
    return %arg0, %c0_i32, %c0_i32_0 : i32, i32, i32
  }
  func.func @transform_4(%arg0: i32) -> (i32, i32) {
    %c0_i32 = arith.constant 0 : i32
    %c0_i32_0 = arith.constant 0 : i32
    %c0_i32_1 = arith.constant 0 : i32
    return %c0_i32, %c0_i32_0 : i32, i32
  }
  func.func @transform_5(%arg0: i32) -> (i32, i32) {
    %c0_i32 = arith.constant 0 : i32
    %c0_i32_0 = arith.constant 0 : i32
    %c0_i32_1 = arith.constant 0 : i32
    return %c0_i32, %c0_i32_0 : i32, i32
  }
  func.func @transform_6(%arg0: i32) -> (i32, i32) {
    %c0_i32 = arith.constant 0 : i32
    %c0_i32_0 = arith.constant 0 : i32
    %c0_i32_1 = arith.constant 0 : i32
    return %c0_i32, %c0_i32_0 : i32, i32
  }
  func.func @transform_7(%arg0: i32) -> (i32, i32) {
    %c0_i32 = arith.constant 0 : i32
    %c0_i32_0 = arith.constant 0 : i32
    %c0_i32_1 = arith.constant 0 : i32
    return %c0_i32, %c0_i32_0 : i32, i32
  }
  func.func @transform_8(%arg0: i32) -> (i32, i32) {
    %c0_i32 = arith.constant 0 : i32
    %c0_i32_0 = arith.constant 0 : i32
    %c0_i32_1 = arith.constant 0 : i32
    return %c0_i32, %c0_i32_0 : i32, i32
  }
  func.func @transform_9(%arg0: i32) -> (i32, i32) {
    %c0_i32 = arith.constant 0 : i32
    %c0_i32_0 = arith.constant 0 : i32
    %c0_i32_1 = arith.constant 0 : i32
    return %c0_i32, %c0_i32_0 : i32, i32
  }
  func.func @transform_10(%arg0: i32) -> (i32, i32) {
    %c0_i32 = arith.constant 0 : i32
    %c0_i32_0 = arith.constant 0 : i32
    %c0_i32_1 = arith.constant 0 : i32
    return %c0_i32, %c0_i32_0 : i32, i32
  }
  func.func @transform_11(%arg0: i32) -> (i32, i32, i32) {
    %c0_i32 = arith.constant 0 : i32
    %c0_i32_0 = arith.constant 0 : i32
    %c0_i32_1 = arith.constant 0 : i32
    %c0_i32_2 = arith.constant 0 : i32
    return %c0_i32, %c0_i32_0, %c0_i32_1 : i32, i32, i32
  }
  func.func @transform_12(%arg0: i32) -> (i32, i32) {
    %c0_i32 = arith.constant 0 : i32
    %c0_i32_0 = arith.constant 0 : i32
    %c0_i32_1 = arith.constant 0 : i32
    return %c0_i32, %c0_i32_0 : i32, i32
  }
  func.func @transform_13(%arg0: i32) -> (i32, i32) {
    %c0_i32 = arith.constant 0 : i32
    %c0_i32_0 = arith.constant 0 : i32
    %c0_i32_1 = arith.constant 0 : i32
    return %c0_i32, %c0_i32_0 : i32, i32
  }
  func.func @transform_14(%arg0: i32) -> (i32, i32) {
    %c0_i32 = arith.constant 0 : i32
    %c0_i32_0 = arith.constant 0 : i32
    %c0_i32_1 = arith.constant 0 : i32
    return %c0_i32, %c0_i32_0 : i32, i32
  }
  func.func @transform_15(%arg0: i32) -> (i32, i32) {
    %c0_i32 = arith.constant 0 : i32
    %c0_i32_0 = arith.constant 0 : i32
    %c0_i32_1 = arith.constant 0 : i32
    return %c0_i32, %c0_i32_0 : i32, i32
  }
  func.func @transform_16(%arg0: i32) -> (i32, i32) {
    %c0_i32 = arith.constant 0 : i32
    %c0_i32_0 = arith.constant 0 : i32
    %c0_i32_1 = arith.constant 0 : i32
    return %c0_i32, %c0_i32_0 : i32, i32
  }
  func.func @transform_17(%arg0: i32) -> (i32, i32) {
    %c0_i32 = arith.constant 0 : i32
    %c0_i32_0 = arith.constant 0 : i32
    %c0_i32_1 = arith.constant 0 : i32
    return %c0_i32, %c0_i32_0 : i32, i32
  }
  func.func @transform_18(%arg0: i32) -> (i32, i32) {
    %c0_i32 = arith.constant 0 : i32
    %c0_i32_0 = arith.constant 0 : i32
    %c0_i32_1 = arith.constant 0 : i32
    return %c0_i32, %c0_i32_0 : i32, i32
  }
  func.func @transform_19(%arg0: i32) -> (i32, i32) {
    %c0_i32 = arith.constant 0 : i32
    %c0_i32_0 = arith.constant 0 : i32
    %c0_i32_1 = arith.constant 0 : i32
    return %c0_i32, %c0_i32_0 : i32, i32
  }
  func.func @transform_20(%arg0: i32) -> (i32, i32) {
    %c0_i32 = arith.constant 0 : i32
    %c0_i32_0 = arith.constant 0 : i32
    %c0_i32_1 = arith.constant 0 : i32
    return %c0_i32, %c0_i32_0 : i32, i32
  }
}

</mosaic_0001>

<sc_bundles>
// kernel: kernel.4.cloned.1.call-start
scs
__scs_entry_jumppad:
0x0: {  	(pc) =	sbr.rel $0x88, $3  }
0x1: {  	(tag) =	ssettag $0x0;
	lr =	simm.s32 $0x1  }
0x2: {  	[smem:$0x3F8F] =	sst lr;
	_ =	strace $0xD0000000  }
0x3: {  	_ = 	snop  }
0x4: {  	_ = 	snop  }
0x5: {  	_ = 	snop  }
0x6: {  	_ = 	snop  }
0x7: {  	_ = 	snop  }
__scs_overlays_trampoline_lowered:
0x8: {  	[smem:$0x3F9E] =	sst s0  }
0x9: {  	[smem:$0x3F9F] =	sst s1  }
0xa: {  	[smem:$0x3FA0] =	sst s2  }
0xb: {  	[smem:$0x3FA1] =	sst s3  }
0xc: {  	[smem:$0x3FA2] =	sst s4  }
0xd: {  	[smem:$0x3FA3] =	sst s5  }
0xe: {  	[smem:$0x3FA4] =	sst s6  }
0xf: {  	[smem:$0x3FA5] =	sst s7  }
0x10: {  	[smem:$0x3FA6] =	sst s8  }
0x11: {  	[smem:$0x3FA7] =	sst s9;
	s0 =	simm.s32 @!p0 $0x0  }
0x12: {  	s1 =	sld [smem:$0x3F8D];
	s0 =	simm.s32 @p0 $0x1  }
0x13: {  	[smem:$0x3FA8] =	sst s0;
	s0 =	simm.s32 @!p1 $0x0  }
0x14: {  	s2 =	sld [smem:$0x3F8C];
	s0 =	simm.s32 @p1 $0x1  }
0x15: {  	[smem:$0x3FA9] =	sst s0;
	s0 =	simm.s32 @!p2 $0x0  }
0x16: {  	s3 =	sld [smem:$0x3FDB];
	s0 =	simm.s32 @p2 $0x1  }
0x17: {  	s4 =	simm.s32 $0x1BF5;
	[smem:$0x3FAB] =	sst s0  }
0x18: {  	s0 =	sld [smem:$0x3F8E];
	_ =	swait.ge [sflag:s4], $0x0  }
0x19: {  	s7 =	sld [smem:$0x3F8F]  }
0x1a: {  	s8 =	sadd.s32 $0xFFFFE003, lr  }
0x1b: {  	s9 =	sadd.s32 $0xFFFFFEF7, lr;
	s5 =	simm.s32 $0xFFFFFFFF;
	p2 =	slt.u32 s8, $0xFFFFF086  }
0x1c: {  	p1 =	slt.u32 s9, $0xF7A;
	s5 =	simm.s32 @!p2 $0x0  }
0x1d: {  	s5 =	simm.s32 @p1 $0x1;
	p0 =	seq.s32 s7, s2  }
0x1e: {  	s7 =	smul.u32 @!p0 $0xF7A, s2;
	p2 =	seq.s32 @!p0 s5, $0x0  }
0x1f: {  	s9 =	smul.u32 $0xF7A, s1;
	s8 =	simm.s32 @!p0 $0x1BF5;
	p2 =	por !p2, p0  }
0x20: {  	[sflag:s8] =	ssyncset.s32 @!p0 $0xFFFFF086;
	s6 =	sadd.s32 @!p0 s3, s7;
	s7 =	simm.s32 @!p0 $0x108  }
0x21: {  	s3 =	sadd.s32 s3, s9;
	s6 =	sadd.s32 @!p0 $0x88, s6;
	s7 =	simm.s32 @p2 $0x1082  }
0x22: {  	[simem:s7], [sflag:s8] =	dma.local @!p0 [hbm:s6], $0xF7A  }
0x23: {  	s9 =	sor.u32 $0xD0000000, s2;
	s6 =	simm.s32 $0x108;
	_ =	swait.ge @!p0 [sflag:s8], $0x0  }
0x24: {  	s3 =	sadd.s32 $0x88, s3;
	s6 =	simm.s32 @!p1 $0x1082;
	[sflag:s4] =	ssyncset.s32 $0xFFFFF086  }
0x25: {  	[simem:s6], [sflag:s4] =	dma.local [hbm:s3], $0xF7A  }
0x26: {  	[smem:$0x3F8F] =	sst s1;
	(tag) =	ssettag s2;
	_ =	strace s9  }
0x27: {  	s1 =	sld [smem:$0x3F9F]  }
0x28: {  	s2 =	sld [smem:$0x3FA0]  }
0x29: {  	s4 =	sld [smem:$0x3FA2]  }
0x2a: {  	p0 =	seq.s32 s5, $0x0;
	s5 =	sld [smem:$0x3FA3]  }
0x2b: {  	s6 =	sld [smem:$0x3FA4]  }
0x2c: {  	s7 =	sld [smem:$0x3FA5]  }
0x2d: {  	s3 =	simm.s32 $0x108;
	s8 =	sld [smem:$0x3FA6]  }
0x2e: {  	s3 =	simm.s32 @!p0 $0x1082;
	s9 =	sld [smem:$0x3FA7]  }
0x2f: {  	lr =	sadd.s32 s0, s3;
	s0 =	sld [smem:$0x3F9E]  }
0x30: {  	s3 =	sld [smem:$0x3FA1]  }
0x31: {  	[smem:$0x3FAA] =	sst s10  }
0x32: {  	s10 =	sld [smem:$0x3FA8];
	_ =	sdelay $0x3  }
0x33: {  	p0 =	seq.s32 s10, $0x1;
	s10 =	sld [smem:$0x3FAA];
	_ =	sdelay $0x3  }
0x34: {  	[smem:$0x3FAA] =	sst s10  }
0x35: {  	s10 =	sld [smem:$0x3FA9];
	_ =	sdelay $0x3  }
0x36: {  	p1 =	seq.s32 s10, $0x1;
	s10 =	sld [smem:$0x3FAA];
	_ =	sdelay $0x3  }
0x37: {  	[smem:$0x3FAA] =	sst s10  }
0x38: {  	s10 =	sld [smem:$0x3FAB]  }
0x39: {  	_ = 	snop;
	(pc) =	sbr.ind lr, $3  }
0x3a: {  	_ = 	snop  }
0x3b: {  	_ = 	snop  }
0x3c: {  	p2 =	seq.s32 s10, $0x1;
	s10 =	sld [smem:$0x3FAA]  }
0x3d: {  	_ =	shalt  }
0x3e: {  	_ =	shalt  }
0x3f: {  	_ =	shalt  }
0x40: {  	_ =	shalt  }
0x41: {  	_ =	shalt  }
0x42: {  	_ =	shalt  }
0x43: {  	_ =	shalt  }
0x44: {  	_ =	shalt  }
0x45: {  	_ =	shalt  }
0x46: {  	_ =	shalt  }
0x47: {  	_ =	shalt  }
0x48: {  	_ =	shalt  }
0x49: {  	_ =	shalt  }
0x4a: {  	_ =	shalt  }
0x4b: {  	_ =	shalt  }
0x4c: {  	_ =	shalt  }
0x4d: {  	_ =	shalt  }
0x4e: {  	_ =	shalt  }
0x4f: {  	_ =	shalt  }
0x50: {  	_ =	shalt  }
0x51: {  	_ =	shalt  }
0x52: {  	_ =	shalt  }
0x53: {  	_ =	shalt  }
0x54: {  	_ =	shalt  }
0x55: {  	_ =	shalt  }
0x56: {  	_ =	shalt  }
0x57: {  	_ =	shalt  }
0x58: {  	_ =	shalt  }
0x59: {  	_ =	shalt  }
0x5a: {  	_ =	shalt  }
0x5b: {  	_ =	shalt  }
0x5c: {  	_ =	shalt  }
0x5d: {  	_ =	shalt  }
0x5e: {  	_ =	shalt  }
0x5f: {  	_ =	shalt  }
0x60: {  	_ =	shalt  }
0x61: {  	_ =	shalt  }
0x62: {  	_ =	shalt  }
0x63: {  	_ =	shalt  }
0x64: {  	_ =	shalt  }
0x65: {  	_ =	shalt  }
0x66: {  	_ =	shalt  }
0x67: {  	_ =	shalt  }
0x68: {  	_ =	shalt  }
0x69: {  	_ =	shalt  }
0x6a: {  	_ =	shalt  }
0x6b: {  	_ =	shalt  }
0x6c: {  	_ =	shalt  }
0x6d: {  	_ =	shalt  }
0x6e: {  	_ =	shalt  }
0x6f: {  	_ =	shalt  }
0x70: {  	_ =	shalt  }
0x71: {  	_ =	shalt  }
0x72: {  	_ =	shalt  }
0x73: {  	_ =	shalt  }
0x74: {  	_ =	shalt  }
0x75: {  	_ =	shalt  }
0x76: {  	_ =	shalt  }
0x77: {  	_ =	shalt  }
0x78: {  	_ =	shalt  }
0x79: {  	_ =	shalt  }
0x7a: {  	_ =	shalt  }
0x7b: {  	_ =	shalt  }
0x7c: {  	_ =	shalt  }
0x7d: {  	_ =	shalt  }
0x7e: {  	_ =	shalt  }
0x7f: {  	_ =	shalt  }
0x80: {  	_ =	shalt  }
0x81: {  	_ =	shalt  }
0x82: {  	_ =	shalt  }
0x83: {  	_ =	shalt  }
0x84: {  	_ =	shalt  }
0x85: {  	_ =	shalt  }
0x86: {  	_ =	shalt  }
0x87: {  	_ =	shalt  }
.Lfunc_end0:
.L_simem_size_0:
called_computation_lowered:
.L_overlay_start_0:
0x88: {  	s2 =	sld [smem:$0x3FD9]  }
0x89: {  	s3 =	sld [smem:$0x3FFE];
	_ =	sdelay $0x1  }
0x8a: {  	s1 =	srdreg.scid  }
0x8b: {  	s0 =	sand.u32 $0x1, s1  }
0x8c: {  	s14 =	sshll.u32 s0, $0xA;
	s2 =	sadd.s32 s3, s2  }
0x8d: {  	s2 =	sadd.s32 s2, s14  }
0x8e: {  	[smem:$0x3FB6] =	sst s2  }
0x8f: {  	_ = 	snop  }
0x90: {  	s2 =	sld [smem:$0x3FD0];
	_ =	sdelay $0x2  }
0x91: {  	s15 =	simm.s32 $0xA;
	s4 =	simm.s32 $0x10  }
0x92: {  	[smem:s4], [sflag:s15] =	dma.local [hbm:s2], $0x1  }
0x93: {  	_ =	swait.eq [sflag:s15], $0x1  }
0x94: {  	[sflag:s15] =	ssyncset.done $0x0  }
0x95: {  	[sflag:s15] =	ssyncadd.s32 $0xFFFFFFFF  }
0x96: {  	s16 =	sld [smem:$0x11];
	(tm) =	ssettm $0x1  }
0x97: {  	s17 =	sld [smem:$0x3FFB];
	_ =	sdelay $0x3  }
0x98: {  	_ =	strace s17  }
0x99: {  	s3 =	sld [smem:$0x3FFC];
	_ =	sdelay $0x3  }
0x9a: {  	_ =	strace s3  }
0x9b: {  	s3 =	sld [smem:$0x3FFD];
	_ =	sdelay $0x3  }
0x9c: {  	_ =	strace s3  }
0x9d: {  	_ =	strace $0x8FFFFFFF  }
0x9e: {  	s18 =	sld [smem:$0x3FDB];
	_ =	sdelay $0x1  }
0x9f: {  	s19 =	simm.s32 $_scs_section_size  }
0xa0: {  	s5 =	simm.s32 $_size__tile_overlayer_lowered;
	s6 =	simm.s32 $_tile_overlayer_lowered  }
0xa1: {  	s22 =	simm.s32 $0x1BFF;
	s21 =	sshll.u32 s6, $0x1;
	s3 =	sadd.s32 s19, s18  }
0xa2: {  	s7 =	simm.s32 $0x0;
	s20 =	sshll.u32 s5, $0x1;
	s5 =	sadd.s32 s21, s3  }
0xa3: {  	[timem:s7], [sflag:s22] =	dma.local [hbm:s5], s20  }
0xa4: {  	_ =	swait.ge [sflag:s22], s20  }
0xa5: {  	s4 =	ssub.s32 $0x0, s20;
	[sflag:s22] =	ssyncset.done $0x0  }
0xa6: {  	[sflag:s22] =	ssyncadd.s32 s4;
	_ =	sdelay $0x1  }
0xa7: {  	s23 =	simm.s32 $0x1B8B  }
0xa8: {  	_ =	swait.ge [sflag:s23], $0x1  }
0xa9: {  	[sflag:s23] =	ssyncset.done $0x0  }
0xaa: {  	s25 =	simm.s32 $0x1B8E;
	s24 =	sld [smem:$0x3FFE];
	[sflag:s23] =	ssyncadd.s32 $0xFFFFFFFF  }
0xab: {  	s26 =	simm.s32 $execute0_lowered;
	[smem:$0x3FD2] =	sst s25  }
0xac: {  	s5 =	sshll.u32 s26, $0x1;
	_ =	strace $0x80000046;
	[dreg:$0x1] =	wrdreg $0xFFFFFFFF  }
0xad: {  	s28 =	simm.s32 $_size_execute0_lowered;
	s3 =	sadd.s32 s3, s5;
	[dreg:$0x0] =	wrdreg $0x0  }
0xae: {  	s5 =	sshll.u32 s28, $0x1;
	[dreg:$0x2] =	wrdreg s3  }
0xaf: {  	[dreg:$0x3] =	wrdreg s5  }
0xb0: {  	[dreg:$0x4] =	wrdreg $0xC0  }
0xb1: {  	_ =	task [dreg:s7], $0x5FFFF  }
0xb2: {  	[dreg:$0x1] =	wrdreg $0xFFFFFFFF  }
0xb3: {  	[dreg:$0x0] =	wrdreg $0x60  }
0xb4: {  	[dreg:$0x2] =	wrdreg s24  }
0xb5: {  	[dreg:$0x3] =	wrdreg s16  }
0xb6: {  	[dreg:$0x4] =	wrdreg $0x8B800  }
0xb7: {  	[dreg:$0x5] =	wrdreg $0xB3800  }
0xb8: {  	[dreg:$0x6] =	wrdreg $0xB6000  }
0xb9: {  	[dreg:$0x7] =	wrdreg $0xB8800  }
0xba: {  	[dreg:$0x8] =	wrdreg $0x9  }
0xbb: {  	_ =	task.clear_ibuf [dreg:s7], $0x9FFFF;
	_ =	strace $0x90000046  }
0xbc: {  	s29 =	simm.s32 $0x9;
	_ =	strace $0x80000048  }
0xbd: {  	_ =	swait.ge [sflag:s29], $0x1  }
0xbe: {  	[sflag:s29] =	ssyncadd.s32 $0xFFFFFFFF  }
0xbf: {  	_ =	strace $0x90000048  }
0xc0: {  	_ =	sfence  }
0xc1: {  	s30 =	sld [smem:$0x0];
	_ =	sdelay $0x2  }
0xc2: {  	s31 =	sshll.u32 s1, $0xD;
	s1 =	sshrl.u32 s1, $0x2  }
0xc3: {  	s3 =	sand.u32 $0x4000, s31;
	s1 =	sadd.s32 s1, s30  }
0xc4: {  	s0 =	sor.u32 s3, s0;
	s1 =	sshll.u32 s1, $0x11  }
0xc5: {  	s0 =	sor.u32 s1, s0  }
0xc6: {  	s0 =	sadd.s32 $0x8F2B, s0  }
0xc7: {  	[sflag:s0] =	ssyncadd.remote.s32 $0x1  }
0xc8: {  	_ =	sfence.sel $0xFFFF  }
0xc9: {  	[dreg:$0x0] =	wrdreg $0xFFFFFFFF;
	(pc) =	sbr.abs _section_cstart, $3  }
0xca: {  	[dreg:$0x1] =	wrdreg $0xFFFFFFFF  }
0xcb: {  	_ =	task.clear_ibuf [dreg:s7], $0x2FFFF;
	_ =	strace $0x9FFFFFFF  }
0xcc: {  	(tm) =	ssettm $0x7FFFFFFF  }
0xcd: {  	_ =	shalt  }
tec
execute0_lowered:
.L_overlay_start_1:
0x0: {  	(tag) =	ssettag $0x1  }
0x1: {  	s0 =	rddreg [dreg:$0x0]  }
0x2: {  	s2 =	rddreg [dreg:$0x2]  }
0x3: {  	s1 =	srdreg.scid;
	s3 =	rddreg [dreg:$0x3]  }
0x4: {  	s12 =	stileid.u32;
	s5 =	rddreg [dreg:$0x4]  }
0x5: {  	s6 =	rddreg [dreg:$0x5];
	s8 =	smul.u32 $0x1C00, s12  }
0x6: {  	s7 =	simm.s32 $0x0;
	s28 =	simm.s32 $0x3800;
	s10 =	smul.u32 $0x2800, s12  }
0x7: {  	s29 =	simm.s32 $0x3980;
	s1 =	sand.u32 $0x1, s1;
	s12 =	smul.u32 $0x280, s12  }
0x8: {  	s30 =	simm.s32 $0x3880;
	s31 =	simm.s32 $0x6300;
	s4 =	smul.u32 $0x38000, s1  }
0x9: {  	[smem:$0x7FF] =	sst s7;
	s13 =	sadd.s32 $0x11A00, s0;
	s9 =	smul.u32 $0x2800, s1  }
0xa: {  	s19 =	smul.u32 $0x28000, s1;
	_ =	strace $0x80000047;
	s1 =	ssub.s32 $0x2, s1  }
0xb: {  	s20 =	sshrl.u32 s1, $0x1;
	s23 =	sadd.s32 s10, s2;
	s24 =	sshrl.u32 s10, $0x3  }
0xc: {  	s25 =	sadd.s32 s12, s3;
	s26 =	sshrl.u32 s12, $0x3;
	s15 =	sadd.s32 s12, s5  }
0xd: {  	s16 =	sadd.s32 s12, s6;
	s4 =	sadd.s32 s8, s4;
	s11 =	sshrl.u32 s9, $0x3  }
0xe: {  	s8 =	sadd.s32 s10, s19;
	s9 =	sadd.s32 s12, s9;
	[dreg:$0xa] =	wrdreg s23  }
0xf: {  	s1 =	ssub.s32 s1, s20;
	[dreg:$0xc] =	wrdreg s25;
	s14 =	sadd.s32 s13, s26  }
0x10: {  	s26 =	simm.s32 $0x80;
	s23 =	simm.s32 $0x0;
	s4 =	sshrl.u32 s4, $0x3  }
0x11: {  	s11 =	sadd.s32 s11, s0;
	s8 =	sshrl.u32 s8, $0x3;
	s9 =	sshrl.u32 s9, $0x3  }
0x12: {  	s4 =	sadd.s32 s4, s0;
	s8 =	sadd.s32 s8, s0;
	s0 =	sadd.s32 s9, s0  }
0x13: {  	s22 =	sadd.s32 $0x3000, s11;
	s21 =	sadd.s32 $0x3A00, s4;
	s4 =	sadd.s32 $0x7200, s4  }
0x14: {  	[dreg:$0x9] =	wrdreg s22;
	s17 =	sadd.s32 $0x18800, s8;
	s18 =	sadd.s32 $0x17E00, s0  }
0x15: {  	s19 =	sadd.s32 $0x16A00, s0;
	s20 =	sadd.s32 $0x17400, s0;
	[dreg:$0x7] =	wrdreg s21  }
0x16: {  	s22 =	simm.s32 $0x1;
	s0 =	simm.s32 $0x3A00;
	[dreg:$0x8] =	wrdreg s4  }
0x17: {  	s4 =	sadd.s32 s13, s24;
	s21 =	smax.u32 s1, $0x1;
	s24 =	simm.s32 $0x3B00  }
0x18: {  	v0 =	vimm.f32 $1.000000000e+00;
	v1 =	vimm.f32 $0.0e+00;
	s1 =	simm.s32 $0x3A80;
	[dreg:$0xb] =	wrdreg s4;
	s4 =	simm.s32 $0x3900  }
.LBB2_1:
0x19: {  	s8 =	rddreg [dreg:$0x7]  }
0x1a: {  	[tilespmem:s7], [sflag:$0x1] =	stream.linear.gather [hbm4b:s8+s7], $0x1C00, $0x38;
	[tilespmem:$0xBB00] =	vst v63  }
0x1b: {  	_ =	swait.ge [sflag:s22], $0x1C00  }
0x1c: {  	[sflag:s22] =	ssyncset.done $0x0  }
0x1d: {  	s9 =	simm.s32 $0x1C00;
	s11 =	rddreg [dreg:$0x8];
	[sflag:s22] =	ssyncadd.s32 $0xFFFFE400  }
0x1e: {  	[tilespmem:s9], [sflag:$0x1] =	stream.linear.gather [hbm4b:s11+s7], $0x1C00, $0x38;
	[tilespmem:$0xBB00] =	vst v63  }
0x1f: {  	_ =	swait.ge [sflag:s22], $0x1C00  }
0x20: {  	[sflag:s22] =	ssyncset.done $0x0  }
0x21: {  	s12 =	rddreg [dreg:$0x9];
	[sflag:s22] =	ssyncadd.s32 $0xFFFFE400  }
0x22: {  	[tilespmem:s24], [sflag:$0x1] =	stream.linear.gather [hbm4b:s12+s7], $0x2800, $0x38;
	[tilespmem:$0xBB00] =	vst v63  }
0x23: {  	_ =	swait.ge [sflag:s22], $0x2800  }
0x24: {  	[sflag:s22] =	ssyncset.done $0x0  }
0x25: {  	[sflag:s22] =	ssyncadd.s32 $0xFFFFD800  }
0x26: {  	s25 =	simm.s32 $0x8B00;
	s10 =	stileid.u32;
	s13 =	rddreg [dreg:$0x1]  }
0x27: {  	[tilespmem:s25], [sflag:$0x1] =	stream.linear.gather [hbm4b:s13+s7], $0x80, $0x38;
	[tilespmem:$0xBB00] =	vst v63  }
0x28: {  	s8 =	sshll.u32 s10, $0x6;
	_ =	swait.ge [sflag:s22], $0x80  }
0x29: {  	s25 =	sor.u32 $0x1C01, s8;
	[sflag:s22] =	ssyncset.done $0x0;
	s11 =	rddreg [dreg:$0xa]  }
0x2a: {  	s12 =	rddreg [dreg:$0xb];
	[sflag:s22] =	ssyncadd.s32 $0xFFFFFF80;
	s8 =	sshrl.u32 s11, $0x3  }
0x2b: {  	[spmem:s8], [sflag:s25] =	dma.local [hbm:s12], $0x500  }
0x2c: {  	_ =	swait.ge [sflag:s22], $0x500  }
0x2d: {  	[sflag:s22] =	ssyncset.done $0x0;
	s13 =	rddreg [dreg:$0xc]  }
0x2e: {  	[sflag:s22] =	ssyncadd.s32 $0xFFFFFB00;
	s9 =	sshrl.u32 s13, $0x3  }
0x2f: {  	[spmem:s9], [sflag:s25] =	dma.local [hbm:s14], $0x50  }
0x30: {  	_ =	swait.ge [sflag:s22], $0x50  }
0x31: {  	[sflag:s22] =	ssyncset.done $0x0  }
0x32: {  	s10 =	sshrl.u32 s15, $0x3;
	[sflag:s22] =	ssyncadd.s32 $0xFFFFFFB0  }
0x33: {  	[spmem:s10], [sflag:s25] =	dma.local [hbm:s14], $0x50  }
0x34: {  	_ =	swait.ge [sflag:s22], $0x50  }
0x35: {  	[sflag:s22] =	ssyncset.done $0x0  }
0x36: {  	s11 =	sshrl.u32 s16, $0x3;
	[sflag:s22] =	ssyncadd.s32 $0xFFFFFFB0  }
0x37: {  	[spmem:s11], [sflag:s25] =	dma.local [hbm:s14], $0x50  }
0x38: {  	_ =	swait.ge [sflag:s22], $0x50  }
0x39: {  	[sflag:s22] =	ssyncset.done $0x0  }
0x3a: {  	[sflag:s22] =	ssyncadd.s32 $0xFFFFFFB0  }
0x3b: {  	[bflag:$0x0] =	sbarrier.arrive $0xFFFF  }
0x3c: {  	[tilespmem:$0x3980] =	vst v0  }
0x3d: {  	[tilespmem:$0x3990] =	vst v0  }
0x3e: {  	[tilespmem:$0x39A0] =	vst v0  }
0x3f: {  	[tilespmem:$0x39B0] =	vst v0  }
0x40: {  	[tilespmem:$0x39C0] =	vst v0  }
0x41: {  	[tilespmem:$0x39D0] =	vst v0  }
0x42: {  	[tilespmem:$0x39E0] =	vst v0  }
0x43: {  	s12 =	simm.s32 $0x0;
	[tilespmem:$0x39F0] =	vst v0  }
.LBB2_2:
0x44: {  	s13 =	sshra.s32 s12, $0x2  }
0x45: {  	v2 =	vld [tilespmem:s13+$0x0];
	_ =	sdelay $0x6  }
0x46: {  	v3 =	vld [tilespmem:s13+$0x1C00]  }
0x47: {  	v2 =	vld.idx.msk [tilespmem:v2+s24+$0x0], $0xffff;
	_ =	sdelay $0x3  }
0x48: {  	v4 =	vshll.u32 v3, $0x4  }
0x49: {  	[tilespmem:$0x3880] =	vst v3;
	v2 =	vadd.s32 v2, v4  }
0x4a: {  	[tilespmem:$0x3800] =	vst v2  }
0x4b: {  	v2 =	vld [tilespmem:s13+$0x10];
	_ =	sdelay $0x6  }
0x4c: {  	v3 =	vld [tilespmem:s13+$0x1C10]  }
0x4d: {  	v2 =	vld.idx.msk [tilespmem:v2+s24+$0x0], $0xffff;
	_ =	sdelay $0x3  }
0x4e: {  	v57 =	vshll.u32 v3, $0x4  }
0x4f: {  	[tilespmem:$0x3890] =	vst v3;
	v2 =	vadd.s32 v2, v57  }
0x50: {  	[tilespmem:$0x3810] =	vst v2  }
0x51: {  	v2 =	vld [tilespmem:s13+$0x20];
	_ =	sdelay $0x6  }
0x52: {  	v3 =	vld [tilespmem:s13+$0x1C20]  }
0x53: {  	v2 =	vld.idx.msk [tilespmem:v2+s24+$0x0], $0xffff;
	_ =	sdelay $0x3  }
0x54: {  	v58 =	vshll.u32 v3, $0x4  }
0x55: {  	[tilespmem:$0x38A0] =	vst v3;
	v2 =	vadd.s32 v2, v58  }
0x56: {  	[tilespmem:$0x3820] =	vst v2  }
0x57: {  	v2 =	vld [tilespmem:s13+$0x30];
	_ =	sdelay $0x6  }
0x58: {  	v3 =	vld [tilespmem:s13+$0x1C30]  }
0x59: {  	v2 =	vld.idx.msk [tilespmem:v2+s24+$0x0], $0xffff;
	_ =	sdelay $0x3  }
0x5a: {  	v59 =	vshll.u32 v3, $0x4  }
0x5b: {  	[tilespmem:$0x38B0] =	vst v3;
	v2 =	vadd.s32 v2, v59  }
0x5c: {  	[tilespmem:$0x3830] =	vst v2  }
0x5d: {  	v2 =	vld [tilespmem:s13+$0x40];
	_ =	sdelay $0x6  }
0x5e: {  	v3 =	vld [tilespmem:s13+$0x1C40]  }
0x5f: {  	v2 =	vld.idx.msk [tilespmem:v2+s24+$0x0], $0xffff;
	_ =	sdelay $0x3  }
0x60: {  	v60 =	vshll.u32 v3, $0x4  }
0x61: {  	[tilespmem:$0x38C0] =	vst v3;
	v2 =	vadd.s32 v2, v60  }
0x62: {  	[tilespmem:$0x3840] =	vst v2  }
0x63: {  	v2 =	vld [tilespmem:s13+$0x50];
	_ =	sdelay $0x6  }
0x64: {  	v3 =	vld [tilespmem:s13+$0x1C50]  }
0x65: {  	v2 =	vld.idx.msk [tilespmem:v2+s24+$0x0], $0xffff;
	_ =	sdelay $0x3  }
0x66: {  	v61 =	vshll.u32 v3, $0x4  }
0x67: {  	[tilespmem:$0x38D0] =	vst v3;
	v2 =	vadd.s32 v2, v61  }
0x68: {  	[tilespmem:$0x3850] =	vst v2  }
0x69: {  	v2 =	vld [tilespmem:s13+$0x60];
	_ =	sdelay $0x6  }
0x6a: {  	v3 =	vld [tilespmem:s13+$0x1C60]  }
0x6b: {  	v2 =	vld.idx.msk [tilespmem:v2+s24+$0x0], $0xffff;
	_ =	sdelay $0x3  }
0x6c: {  	v62 =	vshll.u32 v3, $0x4  }
0x6d: {  	[tilespmem:$0x38E0] =	vst v3;
	v2 =	vadd.s32 v2, v62  }
0x6e: {  	[tilespmem:$0x3860] =	vst v2  }
0x6f: {  	v2 =	vld [tilespmem:s13+$0x70];
	_ =	sdelay $0x6  }
0x70: {  	v3 =	vld [tilespmem:s13+$0x1C70]  }
0x71: {  	v2 =	vld.idx.msk [tilespmem:v2+s24+$0x0], $0xffff;
	_ =	sdelay $0x3  }
0x72: {  	v63 =	vshll.u32 v3, $0x4  }
0x73: {  	[tilespmem:$0x38F0] =	vst v3;
	v2 =	vadd.s32 v2, v63  }
0x74: {  	[tilespmem:$0x3870] =	vst v2  }
0x75: {  	[spmem:s2] =	stream.indirect.scatter.add.f32 [tilespmem:s29], [sflag:$0x1], $0x1, s28, s26, $0xb8;
	[tilespmem:$0xBB00] =	vst v63  }
0x76: {  	_ =	swait.ge [sflag:s22], $0x80  }
0x77: {  	p0 =	sne.s32 s12, $0x6E00;
	[sflag:s22] =	ssyncset.done $0x0  }
.Ltmp0:
0x78: {  	[sflag:s22] =	ssyncadd.s32 $0xFFFFFF80;
	(pc) =	sbr.rel @p0 .LBB2_2-.Ltmp0, $4  }
0x79: {  	[spmem:s3] =	stream.indirect.scatter.add.f32 [tilespmem:s29], [sflag:$0x1], $0x1, s30, s26, $0xb8;
	[tilespmem:$0xBB00] =	vst v63  }
0x7a: {  	_ =	swait.ge [sflag:s22], $0x80  }
0x7b: {  	[sflag:s22] =	ssyncset.done $0x0  }
0x7c: {  	s12 =	sadd.s32 $0x200, s12;
	[sflag:s22] =	ssyncadd.s32 $0xFFFFFF80  }
0x7d: {  	[bflag:$0x0] =	sbarrier.arrive $0xFFFF  }
0x7e: {  	[tilespmem:s31], [sflag:$0x1] =	stream.linear.gather [spmem:s3], $0x2800, $0x38;
	[tilespmem:$0xBB00] =	vst v63  }
0x7f: {  	_ =	swait.ge [sflag:s22], $0x2800  }
0x80: {  	[sflag:s22] =	ssyncset.done $0x0  }
0x81: {  	[sflag:s22] =	ssyncadd.s32 $0xFFFFD800  }
0x82: {  	s12 =	simm.s32 $0x0;
	v2 =	vld [tilespmem:$0x8B00]  }
.LBB2_4:
0x83: {  	s13 =	sshra.s32 s12, $0x2  }
0x84: {  	v3 =	vld [tilespmem:s13+$0x1C00];
	_ =	sdelay $0x7  }
0x85: {  	v4 =	vld.idx.msk [tilespmem:v3+s31+$0x0], $0xffff;
	_ =	sdelay $0x4  }
0x86: {  	v4 =	vmax.f32 v4, $1.000000000e+00  }
0x87: {  	(erf) = vrcp.f32 v4;
	_ =	sdelay $0x8  }
0x88: {  	v5 =	vpop (erf)  }
0x89: {  	v6 =	vmul.f32 v5, v4;
	_ =	sdelay $0x1  }
0x8a: {  	v6 =	vsub.f32 $2.000000000e+00, v6;
	_ =	sdelay $0x1  }
0x8b: {  	v5 =	vmul.f32 v6, v5  }
0x8c: {  	v42 =	vld [tilespmem:s13+$0x0]  }
0x8d: {  	v4 =	vmul.f32 v5, v4;
	_ =	sdelay $0x1  }
0x8e: {  	v4 =	vsub.f32 $2.000000000e+00, v4  }
0x8f: {  	vm0 =	veq.s32 v3, v2  }
0x90: {  	v3 =	vsel vm0, $0x3F800000, v1;
	[tilespmem:$0x3900] =	vst v42;
	v4 =	vmul.f32 v4, v5  }
0x91: {  	[tilespmem:$0x3A80] =	vst v3  }
0x92: {  	[tilespmem:$0x3A00] =	vst v4  }
0x93: {  	v3 =	vld [tilespmem:s13+$0x1C10];
	_ =	sdelay $0x7  }
0x94: {  	v4 =	vld.idx.msk [tilespmem:v3+s31+$0x0], $0xffff;
	_ =	sdelay $0x4  }
0x95: {  	v4 =	vmax.f32 v4, $1.000000000e+00  }
0x96: {  	(erf) = vrcp.f32 v4;
	_ =	sdelay $0x8  }
0x97: {  	v43 =	vpop (erf)  }
0x98: {  	v44 =	vmul.f32 v43, v4;
	_ =	sdelay $0x1  }
0x99: {  	v6 =	vsub.f32 $2.000000000e+00, v44;
	_ =	sdelay $0x1  }
0x9a: {  	v5 =	vmul.f32 v6, v43  }
0x9b: {  	v45 =	vld [tilespmem:s13+$0x10]  }
0x9c: {  	v4 =	vmul.f32 v5, v4;
	_ =	sdelay $0x1  }
0x9d: {  	v4 =	vsub.f32 $2.000000000e+00, v4  }
0x9e: {  	vm9 =	veq.s32 v3, v2  }
0x9f: {  	v3 =	vsel vm9, $0x3F800000, v1;
	[tilespmem:$0x3910] =	vst v45;
	v4 =	vmul.f32 v4, v5  }
0xa0: {  	[tilespmem:$0x3A90] =	vst v3  }
0xa1: {  	[tilespmem:$0x3A10] =	vst v4  }
0xa2: {  	v3 =	vld [tilespmem:s13+$0x1C20];
	_ =	sdelay $0x7  }
0xa3: {  	v4 =	vld.idx.msk [tilespmem:v3+s31+$0x0], $0xffff;
	_ =	sdelay $0x4  }
0xa4: {  	v4 =	vmax.f32 v4, $1.000000000e+00  }
0xa5: {  	(erf) = vrcp.f32 v4;
	_ =	sdelay $0x8  }
0xa6: {  	v46 =	vpop (erf)  }
0xa7: {  	v47 =	vmul.f32 v46, v4;
	_ =	sdelay $0x1  }
0xa8: {  	v6 =	vsub.f32 $2.000000000e+00, v47;
	_ =	sdelay $0x1  }
0xa9: {  	v5 =	vmul.f32 v6, v46  }
0xaa: {  	v48 =	vld [tilespmem:s13+$0x20]  }
0xab: {  	v4 =	vmul.f32 v5, v4;
	_ =	sdelay $0x1  }
0xac: {  	v4 =	vsub.f32 $2.000000000e+00, v4  }
0xad: {  	vm10 =	veq.s32 v3, v2  }
0xae: {  	v3 =	vsel vm10, $0x3F800000, v1;
	[tilespmem:$0x3920] =	vst v48;
	v4 =	vmul.f32 v4, v5  }
0xaf: {  	[tilespmem:$0x3AA0] =	vst v3  }
0xb0: {  	[tilespmem:$0x3A20] =	vst v4  }
0xb1: {  	v3 =	vld [tilespmem:s13+$0x1C30];
	_ =	sdelay $0x7  }
0xb2: {  	v4 =	vld.idx.msk [tilespmem:v3+s31+$0x0], $0xffff;
	_ =	sdelay $0x4  }
0xb3: {  	v4 =	vmax.f32 v4, $1.000000000e+00  }
0xb4: {  	(erf) = vrcp.f32 v4;
	_ =	sdelay $0x8  }
0xb5: {  	v49 =	vpop (erf)  }
0xb6: {  	v50 =	vmul.f32 v49, v4;
	_ =	sdelay $0x1  }
0xb7: {  	v6 =	vsub.f32 $2.000000000e+00, v50;
	_ =	sdelay $0x1  }
0xb8: {  	v5 =	vmul.f32 v6, v49  }
0xb9: {  	v51 =	vld [tilespmem:s13+$0x30]  }
0xba: {  	v4 =	vmul.f32 v5, v4;
	_ =	sdelay $0x1  }
0xbb: {  	v4 =	vsub.f32 $2.000000000e+00, v4  }
0xbc: {  	vm11 =	veq.s32 v3, v2  }
0xbd: {  	v3 =	vsel vm11, $0x3F800000, v1;
	[tilespmem:$0x3930] =	vst v51;
	v4 =	vmul.f32 v4, v5  }
0xbe: {  	[tilespmem:$0x3AB0] =	vst v3  }
0xbf: {  	[tilespmem:$0x3A30] =	vst v4  }
0xc0: {  	v3 =	vld [tilespmem:s13+$0x1C40];
	_ =	sdelay $0x7  }
0xc1: {  	v4 =	vld.idx.msk [tilespmem:v3+s31+$0x0], $0xffff;
	_ =	sdelay $0x4  }
0xc2: {  	v4 =	vmax.f32 v4, $1.000000000e+00  }
0xc3: {  	(erf) = vrcp.f32 v4;
	_ =	sdelay $0x8  }
0xc4: {  	v52 =	vpop (erf)  }
0xc5: {  	v53 =	vmul.f32 v52, v4;
	_ =	sdelay $0x1  }
0xc6: {  	v6 =	vsub.f32 $2.000000000e+00, v53;
	_ =	sdelay $0x1  }
0xc7: {  	v5 =	vmul.f32 v6, v52  }
0xc8: {  	v54 =	vld [tilespmem:s13+$0x40]  }
0xc9: {  	v4 =	vmul.f32 v5, v4;
	_ =	sdelay $0x1  }
0xca: {  	v4 =	vsub.f32 $2.000000000e+00, v4  }
0xcb: {  	vm12 =	veq.s32 v3, v2  }
0xcc: {  	v3 =	vsel vm12, $0x3F800000, v1;
	[tilespmem:$0x3940] =	vst v54;
	v4 =	vmul.f32 v4, v5  }
0xcd: {  	[tilespmem:$0x3AC0] =	vst v3  }
0xce: {  	[tilespmem:$0x3A40] =	vst v4  }
0xcf: {  	v3 =	vld [tilespmem:s13+$0x1C50];
	_ =	sdelay $0x7  }
0xd0: {  	v4 =	vld.idx.msk [tilespmem:v3+s31+$0x0], $0xffff;
	_ =	sdelay $0x4  }
0xd1: {  	v4 =	vmax.f32 v4, $1.000000000e+00  }
0xd2: {  	(erf) = vrcp.f32 v4;
	_ =	sdelay $0x8  }
0xd3: {  	v55 =	vpop (erf)  }
0xd4: {  	v56 =	vmul.f32 v55, v4;
	_ =	sdelay $0x1  }
0xd5: {  	v6 =	vsub.f32 $2.000000000e+00, v56;
	_ =	sdelay $0x1  }
0xd6: {  	v5 =	vmul.f32 v6, v55  }
0xd7: {  	v57 =	vld [tilespmem:s13+$0x50]  }
0xd8: {  	v4 =	vmul.f32 v5, v4;
	_ =	sdelay $0x1  }
0xd9: {  	v4 =	vsub.f32 $2.000000000e+00, v4  }
0xda: {  	vm13 =	veq.s32 v3, v2  }
0xdb: {  	v3 =	vsel vm13, $0x3F800000, v1;
	[tilespmem:$0x3950] =	vst v57;
	v4 =	vmul.f32 v4, v5  }
0xdc: {  	[tilespmem:$0x3AD0] =	vst v3  }
0xdd: {  	[tilespmem:$0x3A50] =	vst v4  }
0xde: {  	v3 =	vld [tilespmem:s13+$0x1C60];
	_ =	sdelay $0x7  }
0xdf: {  	v4 =	vld.idx.msk [tilespmem:v3+s31+$0x0], $0xffff;
	_ =	sdelay $0x4  }
0xe0: {  	v4 =	vmax.f32 v4, $1.000000000e+00  }
0xe1: {  	(erf) = vrcp.f32 v4;
	_ =	sdelay $0x8  }
0xe2: {  	v58 =	vpop (erf)  }
0xe3: {  	v59 =	vmul.f32 v58, v4;
	_ =	sdelay $0x1  }
0xe4: {  	v6 =	vsub.f32 $2.000000000e+00, v59;
	_ =	sdelay $0x1  }
0xe5: {  	v5 =	vmul.f32 v6, v58  }
0xe6: {  	v60 =	vld [tilespmem:s13+$0x60]  }
0xe7: {  	v4 =	vmul.f32 v5, v4;
	_ =	sdelay $0x1  }
0xe8: {  	v4 =	vsub.f32 $2.000000000e+00, v4  }
0xe9: {  	vm14 =	veq.s32 v3, v2  }
0xea: {  	v3 =	vsel vm14, $0x3F800000, v1;
	[tilespmem:$0x3960] =	vst v60;
	v4 =	vmul.f32 v4, v5  }
0xeb: {  	[tilespmem:$0x3AE0] =	vst v3  }
0xec: {  	[tilespmem:$0x3A60] =	vst v4  }
0xed: {  	v3 =	vld [tilespmem:s13+$0x1C70];
	_ =	sdelay $0x7  }
0xee: {  	v4 =	vld.idx.msk [tilespmem:v3+s31+$0x0], $0xffff;
	_ =	sdelay $0x4  }
0xef: {  	v4 =	vmax.f32 v4, $1.000000000e+00  }
0xf0: {  	(erf) = vrcp.f32 v4;
	_ =	sdelay $0x8  }
0xf1: {  	v61 =	vpop (erf)  }
0xf2: {  	v62 =	vmul.f32 v61, v4;
	_ =	sdelay $0x1  }
0xf3: {  	v6 =	vsub.f32 $2.000000000e+00, v62;
	_ =	sdelay $0x1  }
0xf4: {  	v5 =	vmul.f32 v6, v61  }
0xf5: {  	v63 =	vld [tilespmem:s13+$0x70]  }
0xf6: {  	v4 =	vmul.f32 v5, v4;
	_ =	sdelay $0x1  }
0xf7: {  	v4 =	vsub.f32 $2.000000000e+00, v4  }
0xf8: {  	vm15 =	veq.s32 v3, v2  }
0xf9: {  	v3 =	vsel vm15, $0x3F800000, v1;
	[tilespmem:$0x3970] =	vst v63;
	v4 =	vmul.f32 v4, v5  }
0xfa: {  	[tilespmem:$0x3AF0] =	vst v3  }
0xfb: {  	[tilespmem:$0x3A70] =	vst v4  }
0xfc: {  	[spmem:s5] =	stream.indirect.scatter.add.f32 [tilespmem:s0], [sflag:$0x1], $0x1, s4, s26, $0xb8;
	[tilespmem:$0xBB00] =	vst v63  }
0xfd: {  	_ =	swait.ge [sflag:s22], $0x80  }
0xfe: {  	p0 =	sne.s32 s12, $0x6E00;
	[sflag:s22] =	ssyncset.done $0x0  }
.Ltmp1:
0xff: {  	[sflag:s22] =	ssyncadd.s32 $0xFFFFFF80;
	(pc) =	sbr.rel @p0 .LBB2_4-.Ltmp1, $4  }
0x100: {  	[spmem:s6] =	stream.indirect.scatter.add.f32 [tilespmem:s1], [sflag:$0x1], $0x1, s4, s26, $0xb8;
	[tilespmem:$0xBB00] =	vst v63  }
0x101: {  	_ =	swait.ge [sflag:s22], $0x80  }
0x102: {  	[sflag:s22] =	ssyncset.done $0x0  }
0x103: {  	s12 =	sadd.s32 $0x200, s12;
	[sflag:s22] =	ssyncadd.s32 $0xFFFFFF80  }
0x104: {  	[bflag:$0x0] =	sbarrier.arrive $0xFFFF  }
0x105: {  	[hbm:s17], [sflag:s25] =	dma.local [spmem:s8], $0x500  }
0x106: {  	_ =	swait.ge [sflag:s22], $0x500  }
0x107: {  	[sflag:s22] =	ssyncset.done $0x0  }
0x108: {  	[sflag:s22] =	ssyncadd.s32 $0xFFFFFB00  }
0x109: {  	[hbm:s18], [sflag:s25] =	dma.local [spmem:s9], $0x50  }
0x10a: {  	_ =	swait.ge [sflag:s22], $0x50  }
0x10b: {  	[sflag:s22] =	ssyncset.done $0x0  }
0x10c: {  	[sflag:s22] =	ssyncadd.s32 $0xFFFFFFB0  }
0x10d: {  	[hbm:s19], [sflag:s25] =	dma.local [spmem:s10], $0x50  }
0x10e: {  	s23 =	sadd.s32 $0x1, s23;
	_ =	swait.ge [sflag:s22], $0x50  }
0x10f: {  	p0 =	sne.s32 s23, s21;
	[sflag:s22] =	ssyncset.done $0x0  }
.Ltmp2:
0x110: {  	[sflag:s22] =	ssyncadd.s32 $0xFFFFFFB0;
	(pc) =	sbr.rel @p0 .LBB2_1-.Ltmp2, $4  }
0x111: {  	[hbm:s20], [sflag:s25] =	dma.local [spmem:s11], $0x50  }
0x112: {  	_ =	swait.ge [sflag:s22], $0x50  }
0x113: {  	[sflag:s22] =	ssyncset.done $0x0  }
0x114: {  	[sflag:s22] =	ssyncadd.s32 $0xFFFFFFB0  }
0x115: {  	_ =	sfence.sel $0x180000  }
0x116: {  	[bflag:$0x0] =	sbarrier.arrive $0xFFFF  }
0x117: {  	_ =	strace $0x90000047  }
0x118: {  	s0 =	stileid.u32;
	[bflag:$0x2] =	sbarrier.arrive $0xFFFF  }
0x119: {  	p0 =	sne.s32 s0, $0x0;
	s0 =	rddreg [dreg:$0x6]  }
0x11a: {  	s0 =	sadd.s32 @!p0 $0x100000, s0  }
0x11b: {  	[sflag:s0] =	ssyncadd.tile.s32 @!p0 $0x1;
	_ =	shalt  }
.Lfunc_end2:
_tile_overlayer_lowered:
.L_overlay_start_2:
0x11c: {  	(tag) =	ssettag $0x2  }
0x11d: {  	s0 =	rddreg [dreg:$0x0];
	s2 =	stileid.u32  }
0x11e: {  	s1 =	rddreg [dreg:$0x1];
	p0 =	sne.s32 s2, $0x0  }
0x11f: {  	s3 =	rddreg [dreg:$0x2];
	[bflag:$0x3] =	sbarrier.arrive $0xFFFF;
	s2 =	simm.s32 @!p0 $0x1C01  }
0x120: {  	[timem:s3], [sflag:s2] =	dma.local @!p0 [hbm:s0], s1  }
0x121: {  	s0 =	simm.s32 @!p0 $0x1  }
0x122: {  	_ =	swait.ge @!p0 [sflag:s0], s1  }
0x123: {  	s1 =	ssub.s32 @!p0 $0x0, s1;
	[sflag:s0] =	ssyncset.done @!p0 $0x0  }
0x124: {  	[sflag:s0] =	ssyncadd.s32 @!p0 s1  }
0x125: {  	[bflag:$0x3] =	sbarrier.arrive $0xFFFF  }
0x126: {  	_ =	shalt  }

</sc_bundles>
